<compile_context>
chip_gen: v7x
topology: tpu7x:2x2x1
jax: 0.10.2.dev20260603
libtpu: 0.0.44.dev20260713+nightly
codegen_flags: <defaults>
</compile_context>

<pallas_src>
import functools

import jax
import jax.numpy as jnp
from jax import lax
from jax.experimental import pallas as pl
from jax.experimental.pallas import tpu as pltpu
from jax.experimental.pallas import tpu_sc as plsc

EPS = 1e-5
F32 = jnp.float32


def _make_sc_gather(total_idx, n_rows):
    info = plsc.get_sparse_core_info()
    nc, ns = info.num_cores, info.num_subcores
    nw = nc * ns
    assert total_idx % nw == 0
    per_w = total_idx // nw
    chunk = 2000
    assert per_w % chunk == 0 and chunk % 8 == 0
    nch = per_w // chunk
    mesh = plsc.VectorSubcoreMesh(core_axis_name="c", subcore_axis_name="s")

    @functools.partial(
        pl.kernel,
        out_type=jax.ShapeDtypeStruct((total_idx, 16), F32),
        mesh=mesh,
        scratch_types=[
            pltpu.VMEM_SHARED((n_rows, 16), F32),
            pltpu.VMEM((chunk,), jnp.int32),
            pltpu.VMEM((chunk,), jnp.int32),
            pltpu.VMEM((chunk, 16), F32),
            pltpu.VMEM((chunk, 16), F32),
            pltpu.SemaphoreType.DMA,
            pltpu.SemaphoreType.DMA,
        ],
        compiler_params=pltpu.CompilerParams(use_tc_tiling_on_sc=False),
    )
    def sc_gather(p_hbm, idx_hbm, g_hbm, p_sh, idx0, idx1, buf0, buf1,
                  sem0, sem1):
        @pl.when(lax.axis_index("s") == 0)
        def _():
            pltpu.sync_copy(p_hbm, p_sh)

        plsc.subcore_barrier()
        wid = lax.axis_index("s") * nc + lax.axis_index("c")
        base = wid * per_w
        idxs, bufs, sems = [idx0, idx1], [buf0, buf1], [sem0, sem1]
        copies = [None, None]
        pltpu.sync_copy(idx_hbm.at[pl.ds(base, chunk)], idx0)
        copies[0] = pltpu.async_copy(p_sh.at[idx0], buf0, sem0)
        for c in range(nch):
            cur = c & 1
            nxt = (c + 1) & 1
            if c + 1 < nch:
                pltpu.sync_copy(
                    idx_hbm.at[pl.ds(base + (c + 1) * chunk, chunk)], idxs[nxt]
                )
                copies[nxt] = pltpu.async_copy(
                    p_sh.at[idxs[nxt]], bufs[nxt], sems[nxt]
                )
            copies[cur].wait()
            pltpu.sync_copy(bufs[cur], g_hbm.at[pl.ds(base + c * chunk, chunk)])

    return sc_gather


def _k1_body(atom_ref, ws_ref, wn_ref, bb_ref, s_ref, p_ref):
    a = atom_ref[...]
    s_ref[...] = (
        jnp.dot(a, ws_ref[...], preferred_element_type=F32) + bb_ref[...]
    )
    p_ref[...] = jnp.dot(a, wn_ref[...], preferred_element_type=F32)


def _mega_body(nb, n, cnt1,
               g_ref, bond_ref, s_ref, atom_ref, w512_ref, e512_ref,
               epool_ref, wap_ref, waa_ref, ba_ref, g1be1_ref, g2be2_ref,
               bfout_ref, afout_ref,
               bf_s, pooled_s, af_s, st1_s, st2_s):
    p = pl.program_id(0)
    i = pl.program_id(1)
    row = lax.broadcasted_iota(jnp.int32, (nb, 1), 0) + i * nb
    sl = pl.ds(i * nb, nb)

    @pl.when(p == 0)
    def _():
        b512 = lax.dot_general(
            bond_ref[...], w512_ref[...], (((0,), (0,)), ((), ())),
            preferred_element_type=F32)
        s512 = jnp.dot(s_ref[...], e512_ref[...], preferred_element_type=F32)
        g512 = g_ref[...].reshape(nb, 512)
        bf = jnp.tanh(g512 + b512 + s512)
        bf_s[sl, :] = bf.astype(jnp.bfloat16)
        bfm = jnp.where(row < n, bf, 0.0)
        pooled_s[sl, :] = jnp.dot(bfm, epool_ref[...],
                                  preferred_element_type=F32)
        part = jnp.concatenate(
            [jnp.sum(bfm, axis=0, keepdims=True),
             jnp.sum(bfm * bfm, axis=0, keepdims=True)], axis=0)

        @pl.when(i == 0)
        def _():
            st1_s[...] = part

        @pl.when(i != 0)
        def _():
            st1_s[...] += part

    @pl.when(p == 1)
    def _():
        st16 = lax.dot_general(
            st1_s[...], e512_ref[...], (((1,), (1,)), ((), ())),
            preferred_element_type=F32)
        mu = st16[0:1, :] * (1.0 / cnt1)
        var = st16[1:2, :] * (1.0 / cnt1) - mu * mu
        a1 = g1be1_ref[0:1, :] * lax.rsqrt(var + EPS)
        c1 = g1be1_ref[1:2, :] - mu * a1
        a1_512 = jnp.dot(a1, e512_ref[...], preferred_element_type=F32)
        c1_512 = jnp.dot(c1, e512_ref[...], preferred_element_type=F32)
        bf = bf_s[sl, :].astype(F32)
        bfout_ref[...] = jnp.transpose(bf * a1_512 + c1_512, (1, 0))
        pooled_n = pooled_s[sl, :] * a1 + c1
        h = (
            jnp.dot(pooled_n, wap_ref[...], preferred_element_type=F32)
            + jnp.dot(atom_ref[...], waa_ref[...], preferred_element_type=F32)
            + ba_ref[...]
        )
        af = jnp.tanh(h)
        af_s[sl, :] = af
        afm = jnp.where(row < n, af, 0.0)
        part = jnp.concatenate(
            [jnp.sum(afm, axis=0, keepdims=True),
             jnp.sum(afm * afm, axis=0, keepdims=True)], axis=0)

        @pl.when(i == 0)
        def _():
            st2_s[...] = part

        @pl.when(i != 0)
        def _():
            st2_s[...] += part

    @pl.when(p == 2)
    def _():
        mu = st2_s[0:1, :] * (1.0 / n)
        var = st2_s[1:2, :] * (1.0 / n) - mu * mu
        a2 = g2be2_ref[0:1, :] * lax.rsqrt(var + EPS)
        c2 = g2be2_ref[1:2, :] - mu * a2
        afout_ref[...] = af_s[sl, :] * a2 + c2


def kernel(nbr_idx, atom_fea, bond_fea, Wb, bb, Wa, ba, g1, be1, g2, be2):
    n, nnn = nbr_idx.shape
    a_fea = atom_fea.shape[1]
    b_fea = bond_fea.shape[2]
    assert (n, nnn, a_fea, b_fea) == (10000, 32, 128, 16)
    tot = n * nnn
    rows_p = tot * b_fea // 128
    nb = 1000
    grid = n // nb
    nbk = 2048
    gridk = -(-n // nbk)
    rbk = nbk * nnn * b_fea // 128

    idx = nbr_idx.reshape(-1).astype(jnp.int32)
    Wb_self, Wb_nbr, Wb_bond = Wb[:a_fea], Wb[a_fea:2 * a_fea], Wb[2 * a_fea:]
    jc = nnn * b_fea
    W512 = jnp.kron(jnp.eye(nnn, dtype=F32), Wb_bond)
    E512 = (jnp.arange(jc)[None, :] % b_fea
            == jnp.arange(b_fea)[:, None]).astype(F32)
    Epool = E512.T * (1.0 / nnn)
    bond_t = jnp.transpose(bond_fea, (1, 2, 0)).reshape(jc, n)

    s_tab, p_tab = pl.pallas_call(
        _k1_body,
        grid=(grid,),
        in_specs=[
            pl.BlockSpec((nb, a_fea), lambda i: (i, 0)),
            pl.BlockSpec((a_fea, b_fea), lambda i: (0, 0)),
            pl.BlockSpec((a_fea, b_fea), lambda i: (0, 0)),
            pl.BlockSpec((1, b_fea), lambda i: (0, 0)),
        ],
        out_specs=[
            pl.BlockSpec((nb, b_fea), lambda i: (i, 0)),
            pl.BlockSpec((nb, b_fea), lambda i: (i, 0)),
        ],
        out_shape=[
            jax.ShapeDtypeStruct((n, b_fea), F32),
            jax.ShapeDtypeStruct((n, b_fea), F32),
        ],
    )(atom_fea, Wb_self, Wb_nbr, bb.reshape(1, b_fea))

    g_rows = _make_sc_gather(tot, n)(p_tab, idx)
    g_p = g_rows.reshape(rows_p, 128)

    last = gridk - 1
    g_map = lambda p, i: (jnp.where(p == 0, i, last), 0)
    bond_map = lambda p, i: (0, jnp.where(p == 0, i, last))
    s_map = lambda p, i: (jnp.where(p == 0, i, last), 0)
    atom_map = lambda p, i: (jnp.where(p == 0, 0, jnp.where(p == 1, i, last)), 0)
    bfout_map = lambda p, i: (0, jnp.where(p == 0, 0, jnp.where(p == 1, i, last)))
    afout_map = lambda p, i: (jnp.where(p == 2, i, 0), 0)
    const2 = lambda p, i: (0, 0)
    npad = gridk * nbk

    bf_out_t, af_out = pl.pallas_call(
        functools.partial(_mega_body, nbk, n, float(tot)),
        grid=(3, gridk),
        in_specs=[
            pl.BlockSpec((rbk, 128), g_map),
            pl.BlockSpec((jc, nbk), bond_map),
            pl.BlockSpec((nbk, b_fea), s_map),
            pl.BlockSpec((nbk, a_fea), atom_map),
            pl.BlockSpec((jc, jc), const2),
            pl.BlockSpec((b_fea, jc), const2),
            pl.BlockSpec((jc, b_fea), const2),
            pl.BlockSpec((b_fea, a_fea), const2),
            pl.BlockSpec((a_fea, a_fea), const2),
            pl.BlockSpec((1, a_fea), const2),
            pl.BlockSpec((2, b_fea), const2),
            pl.BlockSpec((2, a_fea), const2),
        ],
        out_specs=[
            pl.BlockSpec((jc, nbk), bfout_map),
            pl.BlockSpec((nbk, a_fea), afout_map),
        ],
        out_shape=[
            jax.ShapeDtypeStruct((jc, n), F32),
            jax.ShapeDtypeStruct((n, a_fea), F32),
        ],
        scratch_shapes=[
            pltpu.VMEM((npad, jc), jnp.bfloat16),
            pltpu.VMEM((npad, b_fea), F32),
            pltpu.VMEM((npad, a_fea), F32),
            pltpu.VMEM((2, jc), F32),
            pltpu.VMEM((2, a_fea), F32),
        ],
        compiler_params=pltpu.CompilerParams(
            vmem_limit_bytes=100 * 1024 * 1024),
    )(g_p, bond_t, s_tab, atom_fea, W512, E512, Epool,
      Wa[:b_fea], Wa[b_fea:], ba.reshape(1, a_fea),
      jnp.stack([g1, be1]), jnp.stack([g2, be2]))

    bf_out = bf_out_t.reshape(nnn, b_fea, n).transpose(2, 0, 1)
    return af_out, bf_out

# --- scband reference (transcript-rebuilt; emitter-appended) ---
"""Pipeline reference for scband-conv-layer-82420422410531 (READ-ONLY COPY).

The authoritative reference and input builder live on the scoring server;
editing this copy changes nothing except your own understanding.
"""

import jax, jax.numpy as jnp
import numpy as np

A_FEA = 128
B_FEA = 16
NNN = 32
N = 10000
EPS = 1e-5


def setup_inputs(seed: int = 0) -> dict:
    key = jax.random.key(seed)
    k = jax.random.split(key, 12)
    nbr_idx = jax.random.randint(k[0], (N, NNN), 0, N, dtype=jnp.int64) if jax.config.jax_enable_x64 else jax.random.randint(k[0], (N, NNN), 0, N, dtype=jnp.int32)
    atom_fea = jax.random.normal(k[1], (N, A_FEA), dtype=jnp.float32)
    bond_fea = jax.random.normal(k[2], (N, NNN, B_FEA), dtype=jnp.float32)
    # learned parameters
    Wb = jax.random.normal(k[3], (A_FEA * 2 + B_FEA, B_FEA), dtype=jnp.float32) * 0.05
    bb = jnp.zeros((B_FEA,), dtype=jnp.float32)
    Wa = jax.random.normal(k[4], (B_FEA + A_FEA, A_FEA), dtype=jnp.float32) * 0.05
    ba = jnp.zeros((A_FEA,), dtype=jnp.float32)
    g1 = jnp.ones((B_FEA,), dtype=jnp.float32)
    be1 = jnp.zeros((B_FEA,), dtype=jnp.float32)
    g2 = jnp.ones((A_FEA,), dtype=jnp.float32)
    be2 = jnp.zeros((A_FEA,), dtype=jnp.float32)
    return {"nbr_idx": nbr_idx, "atom_fea": atom_fea, "bond_fea": bond_fea,
            "Wb": Wb, "bb": bb, "Wa": Wa, "ba": ba,
            "g1": g1, "be1": be1, "g2": g2, "be2": be2}


def _batchnorm(x, gamma, beta):
    # torch BatchNorm1d training-mode: biased batch variance
    mu = jnp.mean(x, axis=0)
    var = jnp.mean((x - mu) ** 2, axis=0)
    return (x - mu) / jnp.sqrt(var + EPS) * gamma + beta


def reference(nbr_idx, atom_fea, bond_fea, Wb, bb, Wa, ba, g1, be1, g2, be2):
    n, nnn = nbr_idx.shape
    a_fea_in = atom_fea.shape[1]
    b_fea_in = bond_fea.shape[2]
    atom_exp = jnp.broadcast_to(atom_fea[:, None, :], (n, nnn, a_fea_in))
    nbr_fea = jnp.take(atom_fea, nbr_idx, axis=0)  # gather: [N, nnn, a_fea_in]
    cat = jnp.concatenate([atom_exp, nbr_fea, bond_fea], axis=-1)
    bf = jnp.tanh(jnp.dot(cat, Wb) + bb)
    bf = _batchnorm(bf.reshape(-1, b_fea_in), g1, be1).reshape(n, nnn, b_fea_in)
    pooled = jnp.mean(bf, axis=1)
    af = jnp.tanh(jnp.dot(jnp.concatenate([pooled, atom_fea], axis=1), Wa) + ba)
    af = _batchnorm(af, g2, be2)
    return (af, bf)

if __name__ == "__main__":
    import jax
    _d = setup_inputs()
    print(jax.jit(kernel)(*tuple(_d.values())))

</pallas_src>

<mosaic_0001>
#map = affine_map<(d0, d1) -> (0, 0)>
#map1 = affine_map<(d0, d1) -> (0)>
module attributes {stable_mosaic.version = 14 : i64} {
  func.func @sc_gather(%arg0: i32, %arg1: i32, %arg2: memref<10000x16xf32, #tpu.memory_space<hbm>>, %arg3: memref<320000xi32, #tpu.memory_space<hbm>>, %arg4: memref<320000x16xf32, #tpu.memory_space<hbm>>, %arg5: memref<10000x16xf32, #tpu.memory_space<vmem_shared>>, %arg6: memref<2000xi32, #tpu.memory_space<vmem>>, %arg7: memref<2000xi32, #tpu.memory_space<vmem>>, %arg8: memref<2000x16xf32, #tpu.memory_space<vmem>>, %arg9: memref<2000x16xf32, #tpu.memory_space<vmem>>, %arg10: memref<!tpu.dma_semaphore, #tpu.memory_space<semaphore_mem>>, %arg11: memref<!tpu.dma_semaphore, #tpu.memory_space<semaphore_mem>>) attributes {dimension_semantics = [#tpu.dimension_semantics<core_parallel>, #tpu.dimension_semantics<subcore_parallel>], iteration_bounds = array<i64: 2, 16>, scalar_prefetch = 0 : i64, scratch_operands = 7 : i64, tpu.core_type = #tpu.core_type<sc_vector_subcore>, window_params = [{transform_indices = #map}, {transform_indices = #map1}, {transform_indices = #map}]} {
    %eq3A = arith.constant 0 : i32
    %eq3A_0 = arith.cmpi eq, %arg1, %eq3A : i32
    %convert_element_type3A = arith.extui %eq3A_0 : i1 to i32
    %cond3A = arith.constant 0 : i32
    %cond3A_1 = arith.cmpi ne, %convert_element_type3A, %cond3A : i32
    scf.if %cond3A_1 {
      "tpu.region"() ({
        %run_scoped3A = tpu.sem_alloc : memref<!tpu.dma_semaphore, #tpu.memory_space<semaphore_mem>>
        tpu.enqueue_dma source(%arg2 : memref<10000x16xf32, #tpu.memory_space<hbm>>) target(%arg5 : memref<10000x16xf32, #tpu.memory_space<vmem_shared>>) target_semaphore(%run_scoped3A : memref<!tpu.dma_semaphore, #tpu.memory_space<semaphore_mem>>)
        tpu.wait_dma2 semaphore(%run_scoped3A : memref<!tpu.dma_semaphore, #tpu.memory_space<semaphore_mem>>) src(%arg2 : memref<10000x16xf32, #tpu.memory_space<hbm>>) dst(%arg5 : memref<10000x16xf32, #tpu.memory_space<vmem_shared>>)
        tpu.yield
      }) : () -> ()
    } else {
    }
    %barrier3A = arith.constant 0 : index
    tpu.barrier barrier_id(%barrier3A)
    %mul3A = arith.constant 2 : i32
    %mul3A_2 = arith.muli %arg1, %mul3A : i32
    %add3A = arith.addi %mul3A_2, %arg0 : i32
    %mul3A_3 = arith.constant 10000 : i32
    %mul3A_4 = arith.muli %add3A, %mul3A_3 : i32
    "tpu.region"() ({
      %run_scoped3A = tpu.sem_alloc : memref<!tpu.dma_semaphore, #tpu.memory_space<semaphore_mem>>
      %dma_start3A_51 = tpu.memref_slice %arg3[%mul3A_4] : memref<320000xi32, #tpu.memory_space<hbm>> -> memref<2000xi32, #tpu.memory_space<hbm>>
      %dma_start3A_52 = tpu.memref_slice %arg3[%mul3A_4] : memref<320000xi32, #tpu.memory_space<hbm>> -> memref<2000xi32, #tpu.memory_space<hbm>>
      tpu.enqueue_dma source(%dma_start3A_52 : memref<2000xi32, #tpu.memory_space<hbm>>) target(%arg6 : memref<2000xi32, #tpu.memory_space<vmem>>) target_semaphore(%run_scoped3A : memref<!tpu.dma_semaphore, #tpu.memory_space<semaphore_mem>>)
      %dma_wait3A_53 = tpu.memref_slice %arg3[%mul3A_4] : memref<320000xi32, #tpu.memory_space<hbm>> -> memref<2000xi32, #tpu.memory_space<hbm>>
      %dma_wait3A_54 = tpu.memref_slice %arg3[%mul3A_4] : memref<320000xi32, #tpu.memory_space<hbm>> -> memref<2000xi32, #tpu.memory_space<hbm>>
      tpu.wait_dma2 semaphore(%run_scoped3A : memref<!tpu.dma_semaphore, #tpu.memory_space<semaphore_mem>>) src(%dma_wait3A_54 : memref<2000xi32, #tpu.memory_space<hbm>>) dst(%arg6 : memref<2000xi32, #tpu.memory_space<vmem>>)
      tpu.yield
    }) : () -> ()
    %dma_start3A = arith.constant 0 : i32
    %dma_start3A_5 = arith.constant 0 : i32
    %dma_start3A_6 = tpu.memref_slice %arg5[%dma_start3A, %dma_start3A_5] : memref<10000x16xf32, #tpu.memory_space<vmem_shared>> -> memref<10000x16xf32, #tpu.memory_space<vmem_shared>>
    tpu.enqueue_indirect_dma source(%dma_start3A_6 : memref<10000x16xf32, #tpu.memory_space<vmem_shared>>) target(%arg8 : memref<2000x16xf32, #tpu.memory_space<vmem>>) offsets(%arg6 : memref<2000xi32, #tpu.memory_space<vmem>>) semaphore(%arg10 : memref<!tpu.dma_semaphore, #tpu.memory_space<semaphore_mem>>)
    %add3A_7 = arith.constant 2000 : i32
    %add3A_8 = arith.addi %mul3A_4, %add3A_7 : i32
    "tpu.region"() ({
      %run_scoped3A = tpu.sem_alloc : memref<!tpu.dma_semaphore, #tpu.memory_space<semaphore_mem>>
      %dma_start3A_51 = tpu.memref_slice %arg3[%add3A_8] : memref<320000xi32, #tpu.memory_space<hbm>> -> memref<2000xi32, #tpu.memory_space<hbm>>
      %dma_start3A_52 = tpu.memref_slice %arg3[%add3A_8] : memref<320000xi32, #tpu.memory_space<hbm>> -> memref<2000xi32, #tpu.memory_space<hbm>>
      tpu.enqueue_dma source(%dma_start3A_52 : memref<2000xi32, #tpu.memory_space<hbm>>) target(%arg7 : memref<2000xi32, #tpu.memory_space<vmem>>) target_semaphore(%run_scoped3A : memref<!tpu.dma_semaphore, #tpu.memory_space<semaphore_mem>>)
      %dma_wait3A_53 = tpu.memref_slice %arg3[%add3A_8] : memref<320000xi32, #tpu.memory_space<hbm>> -> memref<2000xi32, #tpu.memory_space<hbm>>
      %dma_wait3A_54 = tpu.memref_slice %arg3[%add3A_8] : memref<320000xi32, #tpu.memory_space<hbm>> -> memref<2000xi32, #tpu.memory_space<hbm>>
      tpu.wait_dma2 semaphore(%run_scoped3A : memref<!tpu.dma_semaphore, #tpu.memory_space<semaphore_mem>>) src(%dma_wait3A_54 : memref<2000xi32, #tpu.memory_space<hbm>>) dst(%arg7 : memref<2000xi32, #tpu.memory_space<vmem>>)
      tpu.yield
    }) : () -> ()
    %dma_start3A_9 = arith.constant 0 : i32
    %dma_start3A_10 = arith.constant 0 : i32
    %dma_start3A_11 = tpu.memref_slice %arg5[%dma_start3A_9, %dma_start3A_10] : memref<10000x16xf32, #tpu.memory_space<vmem_shared>> -> memref<10000x16xf32, #tpu.memory_space<vmem_shared>>
    tpu.enqueue_indirect_dma source(%dma_start3A_11 : memref<10000x16xf32, #tpu.memory_space<vmem_shared>>) target(%arg9 : memref<2000x16xf32, #tpu.memory_space<vmem>>) offsets(%arg7 : memref<2000xi32, #tpu.memory_space<vmem>>) semaphore(%arg11 : memref<!tpu.dma_semaphore, #tpu.memory_space<semaphore_mem>>)
    %dma_wait3A = arith.constant 0 : i32
    %dma_wait3A_12 = arith.constant 0 : i32
    %dma_wait3A_13 = tpu.memref_slice %arg5[%dma_wait3A, %dma_wait3A_12] : memref<10000x16xf32, #tpu.memory_space<vmem_shared>> -> memref<10000x16xf32, #tpu.memory_space<vmem_shared>>
    tpu.wait_indirect_dma semaphore(%arg10 : memref<!tpu.dma_semaphore, #tpu.memory_space<semaphore_mem>>) src(%dma_wait3A_13 : memref<10000x16xf32, #tpu.memory_space<vmem_shared>>) dst(%arg8 : memref<2000x16xf32, #tpu.memory_space<vmem>>)
    %add3A_14 = arith.constant 0 : i32
    %add3A_15 = arith.addi %mul3A_4, %add3A_14 : i32
    "tpu.region"() ({
      %run_scoped3A = tpu.sem_alloc : memref<!tpu.dma_semaphore, #tpu.memory_space<semaphore_mem>>
      %dma_start3A_51 = arith.constant 0 : i32
      %dma_start3A_52 = tpu.memref_slice %arg4[%add3A_15, %dma_start3A_51] : memref<320000x16xf32, #tpu.memory_space<hbm>> -> memref<2000x16xf32, #tpu.memory_space<hbm>>
      %dma_start3A_53 = arith.constant 0 : i32
      %dma_start3A_54 = tpu.memref_slice %arg4[%add3A_15, %dma_start3A_53] : memref<320000x16xf32, #tpu.memory_space<hbm>> -> memref<2000x16xf32, #tpu.memory_space<hbm>>
      tpu.enqueue_dma source(%arg8 : memref<2000x16xf32, #tpu.memory_space<vmem>>) target(%dma_start3A_54 : memref<2000x16xf32, #tpu.memory_space<hbm>>) target_semaphore(%run_scoped3A : memref<!tpu.dma_semaphore, #tpu.memory_space<semaphore_mem>>)
      %dma_wait3A_55 = arith.constant 0 : i32
      %dma_wait3A_56 = tpu.memref_slice %arg4[%add3A_15, %dma_wait3A_55] : memref<320000x16xf32, #tpu.memory_space<hbm>> -> memref<2000x16xf32, #tpu.memory_space<hbm>>
      %dma_wait3A_57 = arith.constant 0 : i32
      %dma_wait3A_58 = tpu.memref_slice %arg4[%add3A_15, %dma_wait3A_57] : memref<320000x16xf32, #tpu.memory_space<hbm>> -> memref<2000x16xf32, #tpu.memory_space<hbm>>
      tpu.wait_dma2 semaphore(%run_scoped3A : memref<!tpu.dma_semaphore, #tpu.memory_space<semaphore_mem>>) src(%arg8 : memref<2000x16xf32, #tpu.memory_space<vmem>>) dst(%dma_wait3A_58 : memref<2000x16xf32, #tpu.memory_space<hbm>>)
      tpu.yield
    }) : () -> ()
    %add3A_16 = arith.constant 4000 : i32
    %add3A_17 = arith.addi %mul3A_4, %add3A_16 : i32
    "tpu.region"() ({
      %run_scoped3A = tpu.sem_alloc : memref<!tpu.dma_semaphore, #tpu.memory_space<semaphore_mem>>
      %dma_start3A_51 = tpu.memref_slice %arg3[%add3A_17] : memref<320000xi32, #tpu.memory_space<hbm>> -> memref<2000xi32, #tpu.memory_space<hbm>>
      %dma_start3A_52 = tpu.memref_slice %arg3[%add3A_17] : memref<320000xi32, #tpu.memory_space<hbm>> -> memref<2000xi32, #tpu.memory_space<hbm>>
      tpu.enqueue_dma source(%dma_start3A_52 : memref<2000xi32, #tpu.memory_space<hbm>>) target(%arg6 : memref<2000xi32, #tpu.memory_space<vmem>>) target_semaphore(%run_scoped3A : memref<!tpu.dma_semaphore, #tpu.memory_space<semaphore_mem>>)
      %dma_wait3A_53 = tpu.memref_slice %arg3[%add3A_17] : memref<320000xi32, #tpu.memory_space<hbm>> -> memref<2000xi32, #tpu.memory_space<hbm>>
      %dma_wait3A_54 = tpu.memref_slice %arg3[%add3A_17] : memref<320000xi32, #tpu.memory_space<hbm>> -> memref<2000xi32, #tpu.memory_space<hbm>>
      tpu.wait_dma2 semaphore(%run_scoped3A : memref<!tpu.dma_semaphore, #tpu.memory_space<semaphore_mem>>) src(%dma_wait3A_54 : memref<2000xi32, #tpu.memory_space<hbm>>) dst(%arg6 : memref<2000xi32, #tpu.memory_space<vmem>>)
      tpu.yield
    }) : () -> ()
    %dma_start3A_18 = arith.constant 0 : i32
    %dma_start3A_19 = arith.constant 0 : i32
    %dma_start3A_20 = tpu.memref_slice %arg5[%dma_start3A_18, %dma_start3A_19] : memref<10000x16xf32, #tpu.memory_space<vmem_shared>> -> memref<10000x16xf32, #tpu.memory_space<vmem_shared>>
    tpu.enqueue_indirect_dma source(%dma_start3A_20 : memref<10000x16xf32, #tpu.memory_space<vmem_shared>>) target(%arg8 : memref<2000x16xf32, #tpu.memory_space<vmem>>) offsets(%arg6 : memref<2000xi32, #tpu.memory_space<vmem>>) semaphore(%arg10 : memref<!tpu.dma_semaphore, #tpu.memory_space<semaphore_mem>>)
    %dma_wait3A_21 = arith.constant 0 : i32
    %dma_wait3A_22 = arith.constant 0 : i32
    %dma_wait3A_23 = tpu.memref_slice %arg5[%dma_wait3A_21, %dma_wait3A_22] : memref<10000x16xf32, #tpu.memory_space<vmem_shared>> -> memref<10000x16xf32, #tpu.memory_space<vmem_shared>>
    tpu.wait_indirect_dma semaphore(%arg11 : memref<!tpu.dma_semaphore, #tpu.memory_space<semaphore_mem>>) src(%dma_wait3A_23 : memref<10000x16xf32, #tpu.memory_space<vmem_shared>>) dst(%arg9 : memref<2000x16xf32, #tpu.memory_space<vmem>>)
    %add3A_24 = arith.constant 2000 : i32
    %add3A_25 = arith.addi %mul3A_4, %add3A_24 : i32
    "tpu.region"() ({
      %run_scoped3A = tpu.sem_alloc : memref<!tpu.dma_semaphore, #tpu.memory_space<semaphore_mem>>
      %dma_start3A_51 = arith.constant 0 : i32
      %dma_start3A_52 = tpu.memref_slice %arg4[%add3A_25, %dma_start3A_51] : memref<320000x16xf32, #tpu.memory_space<hbm>> -> memref<2000x16xf32, #tpu.memory_space<hbm>>
      %dma_start3A_53 = arith.constant 0 : i32
      %dma_start3A_54 = tpu.memref_slice %arg4[%add3A_25, %dma_start3A_53] : memref<320000x16xf32, #tpu.memory_space<hbm>> -> memref<2000x16xf32, #tpu.memory_space<hbm>>
      tpu.enqueue_dma source(%arg9 : memref<2000x16xf32, #tpu.memory_space<vmem>>) target(%dma_start3A_54 : memref<2000x16xf32, #tpu.memory_space<hbm>>) target_semaphore(%run_scoped3A : memref<!tpu.dma_semaphore, #tpu.memory_space<semaphore_mem>>)
      %dma_wait3A_55 = arith.constant 0 : i32
      %dma_wait3A_56 = tpu.memref_slice %arg4[%add3A_25, %dma_wait3A_55] : memref<320000x16xf32, #tpu.memory_space<hbm>> -> memref<2000x16xf32, #tpu.memory_space<hbm>>
      %dma_wait3A_57 = arith.constant 0 : i32
      %dma_wait3A_58 = tpu.memref_slice %arg4[%add3A_25, %dma_wait3A_57] : memref<320000x16xf32, #tpu.memory_space<hbm>> -> memref<2000x16xf32, #tpu.memory_space<hbm>>
      tpu.wait_dma2 semaphore(%run_scoped3A : memref<!tpu.dma_semaphore, #tpu.memory_space<semaphore_mem>>) src(%arg9 : memref<2000x16xf32, #tpu.memory_space<vmem>>) dst(%dma_wait3A_58 : memref<2000x16xf32, #tpu.memory_space<hbm>>)
      tpu.yield
    }) : () -> ()
    %add3A_26 = arith.constant 6000 : i32
    %add3A_27 = arith.addi %mul3A_4, %add3A_26 : i32
    "tpu.region"() ({
      %run_scoped3A = tpu.sem_alloc : memref<!tpu.dma_semaphore, #tpu.memory_space<semaphore_mem>>
      %dma_start3A_51 = tpu.memref_slice %arg3[%add3A_27] : memref<320000xi32, #tpu.memory_space<hbm>> -> memref<2000xi32, #tpu.memory_space<hbm>>
      %dma_start3A_52 = tpu.memref_slice %arg3[%add3A_27] : memref<320000xi32, #tpu.memory_space<hbm>> -> memref<2000xi32, #tpu.memory_space<hbm>>
      tpu.enqueue_dma source(%dma_start3A_52 : memref<2000xi32, #tpu.memory_space<hbm>>) target(%arg7 : memref<2000xi32, #tpu.memory_space<vmem>>) target_semaphore(%run_scoped3A : memref<!tpu.dma_semaphore, #tpu.memory_space<semaphore_mem>>)
      %dma_wait3A_53 = tpu.memref_slice %arg3[%add3A_27] : memref<320000xi32, #tpu.memory_space<hbm>> -> memref<2000xi32, #tpu.memory_space<hbm>>
      %dma_wait3A_54 = tpu.memref_slice %arg3[%add3A_27] : memref<320000xi32, #tpu.memory_space<hbm>> -> memref<2000xi32, #tpu.memory_space<hbm>>
      tpu.wait_dma2 semaphore(%run_scoped3A : memref<!tpu.dma_semaphore, #tpu.memory_space<semaphore_mem>>) src(%dma_wait3A_54 : memref<2000xi32, #tpu.memory_space<hbm>>) dst(%arg7 : memref<2000xi32, #tpu.memory_space<vmem>>)
      tpu.yield
    }) : () -> ()
    %dma_start3A_28 = arith.constant 0 : i32
    %dma_start3A_29 = arith.constant 0 : i32
    %dma_start3A_30 = tpu.memref_slice %arg5[%dma_start3A_28, %dma_start3A_29] : memref<10000x16xf32, #tpu.memory_space<vmem_shared>> -> memref<10000x16xf32, #tpu.memory_space<vmem_shared>>
    tpu.enqueue_indirect_dma source(%dma_start3A_30 : memref<10000x16xf32, #tpu.memory_space<vmem_shared>>) target(%arg9 : memref<2000x16xf32, #tpu.memory_space<vmem>>) offsets(%arg7 : memref<2000xi32, #tpu.memory_space<vmem>>) semaphore(%arg11 : memref<!tpu.dma_semaphore, #tpu.memory_space<semaphore_mem>>)
    %dma_wait3A_31 = arith.constant 0 : i32
    %dma_wait3A_32 = arith.constant 0 : i32
    %dma_wait3A_33 = tpu.memref_slice %arg5[%dma_wait3A_31, %dma_wait3A_32] : memref<10000x16xf32, #tpu.memory_space<vmem_shared>> -> memref<10000x16xf32, #tpu.memory_space<vmem_shared>>
    tpu.wait_indirect_dma semaphore(%arg10 : memref<!tpu.dma_semaphore, #tpu.memory_space<semaphore_mem>>) src(%dma_wait3A_33 : memref<10000x16xf32, #tpu.memory_space<vmem_shared>>) dst(%arg8 : memref<2000x16xf32, #tpu.memory_space<vmem>>)
    %add3A_34 = arith.constant 4000 : i32
    %add3A_35 = arith.addi %mul3A_4, %add3A_34 : i32
    "tpu.region"() ({
      %run_scoped3A = tpu.sem_alloc : memref<!tpu.dma_semaphore, #tpu.memory_space<semaphore_mem>>
      %dma_start3A_51 = arith.constant 0 : i32
      %dma_start3A_52 = tpu.memref_slice %arg4[%add3A_35, %dma_start3A_51] : memref<320000x16xf32, #tpu.memory_space<hbm>> -> memref<2000x16xf32, #tpu.memory_space<hbm>>
      %dma_start3A_53 = arith.constant 0 : i32
      %dma_start3A_54 = tpu.memref_slice %arg4[%add3A_35, %dma_start3A_53] : memref<320000x16xf32, #tpu.memory_space<hbm>> -> memref<2000x16xf32, #tpu.memory_space<hbm>>
      tpu.enqueue_dma source(%arg8 : memref<2000x16xf32, #tpu.memory_space<vmem>>) target(%dma_start3A_54 : memref<2000x16xf32, #tpu.memory_space<hbm>>) target_semaphore(%run_scoped3A : memref<!tpu.dma_semaphore, #tpu.memory_space<semaphore_mem>>)
      %dma_wait3A_55 = arith.constant 0 : i32
      %dma_wait3A_56 = tpu.memref_slice %arg4[%add3A_35, %dma_wait3A_55] : memref<320000x16xf32, #tpu.memory_space<hbm>> -> memref<2000x16xf32, #tpu.memory_space<hbm>>
      %dma_wait3A_57 = arith.constant 0 : i32
      %dma_wait3A_58 = tpu.memref_slice %arg4[%add3A_35, %dma_wait3A_57] : memref<320000x16xf32, #tpu.memory_space<hbm>> -> memref<2000x16xf32, #tpu.memory_space<hbm>>
      tpu.wait_dma2 semaphore(%run_scoped3A : memref<!tpu.dma_semaphore, #tpu.memory_space<semaphore_mem>>) src(%arg8 : memref<2000x16xf32, #tpu.memory_space<vmem>>) dst(%dma_wait3A_58 : memref<2000x16xf32, #tpu.memory_space<hbm>>)
      tpu.yield
    }) : () -> ()
    %add3A_36 = arith.constant 8000 : i32
    %add3A_37 = arith.addi %mul3A_4, %add3A_36 : i32
    "tpu.region"() ({
      %run_scoped3A = tpu.sem_alloc : memref<!tpu.dma_semaphore, #tpu.memory_space<semaphore_mem>>
      %dma_start3A_51 = tpu.memref_slice %arg3[%add3A_37] : memref<320000xi32, #tpu.memory_space<hbm>> -> memref<2000xi32, #tpu.memory_space<hbm>>
      %dma_start3A_52 = tpu.memref_slice %arg3[%add3A_37] : memref<320000xi32, #tpu.memory_space<hbm>> -> memref<2000xi32, #tpu.memory_space<hbm>>
      tpu.enqueue_dma source(%dma_start3A_52 : memref<2000xi32, #tpu.memory_space<hbm>>) target(%arg6 : memref<2000xi32, #tpu.memory_space<vmem>>) target_semaphore(%run_scoped3A : memref<!tpu.dma_semaphore, #tpu.memory_space<semaphore_mem>>)
      %dma_wait3A_53 = tpu.memref_slice %arg3[%add3A_37] : memref<320000xi32, #tpu.memory_space<hbm>> -> memref<2000xi32, #tpu.memory_space<hbm>>
      %dma_wait3A_54 = tpu.memref_slice %arg3[%add3A_37] : memref<320000xi32, #tpu.memory_space<hbm>> -> memref<2000xi32, #tpu.memory_space<hbm>>
      tpu.wait_dma2 semaphore(%run_scoped3A : memref<!tpu.dma_semaphore, #tpu.memory_space<semaphore_mem>>) src(%dma_wait3A_54 : memref<2000xi32, #tpu.memory_space<hbm>>) dst(%arg6 : memref<2000xi32, #tpu.memory_space<vmem>>)
      tpu.yield
    }) : () -> ()
    %dma_start3A_38 = arith.constant 0 : i32
    %dma_start3A_39 = arith.constant 0 : i32
    %dma_start3A_40 = tpu.memref_slice %arg5[%dma_start3A_38, %dma_start3A_39] : memref<10000x16xf32, #tpu.memory_space<vmem_shared>> -> memref<10000x16xf32, #tpu.memory_space<vmem_shared>>
    tpu.enqueue_indirect_dma source(%dma_start3A_40 : memref<10000x16xf32, #tpu.memory_space<vmem_shared>>) target(%arg8 : memref<2000x16xf32, #tpu.memory_space<vmem>>) offsets(%arg6 : memref<2000xi32, #tpu.memory_space<vmem>>) semaphore(%arg10 : memref<!tpu.dma_semaphore, #tpu.memory_space<semaphore_mem>>)
    %dma_wait3A_41 = arith.constant 0 : i32
    %dma_wait3A_42 = arith.constant 0 : i32
    %dma_wait3A_43 = tpu.memref_slice %arg5[%dma_wait3A_41, %dma_wait3A_42] : memref<10000x16xf32, #tpu.memory_space<vmem_shared>> -> memref<10000x16xf32, #tpu.memory_space<vmem_shared>>
    tpu.wait_indirect_dma semaphore(%arg11 : memref<!tpu.dma_semaphore, #tpu.memory_space<semaphore_mem>>) src(%dma_wait3A_43 : memref<10000x16xf32, #tpu.memory_space<vmem_shared>>) dst(%arg9 : memref<2000x16xf32, #tpu.memory_space<vmem>>)
    %add3A_44 = arith.constant 6000 : i32
    %add3A_45 = arith.addi %mul3A_4, %add3A_44 : i32
    "tpu.region"() ({
      %run_scoped3A = tpu.sem_alloc : memref<!tpu.dma_semaphore, #tpu.memory_space<semaphore_mem>>
      %dma_start3A_51 = arith.constant 0 : i32
      %dma_start3A_52 = tpu.memref_slice %arg4[%add3A_45, %dma_start3A_51] : memref<320000x16xf32, #tpu.memory_space<hbm>> -> memref<2000x16xf32, #tpu.memory_space<hbm>>
      %dma_start3A_53 = arith.constant 0 : i32
      %dma_start3A_54 = tpu.memref_slice %arg4[%add3A_45, %dma_start3A_53] : memref<320000x16xf32, #tpu.memory_space<hbm>> -> memref<2000x16xf32, #tpu.memory_space<hbm>>
      tpu.enqueue_dma source(%arg9 : memref<2000x16xf32, #tpu.memory_space<vmem>>) target(%dma_start3A_54 : memref<2000x16xf32, #tpu.memory_space<hbm>>) target_semaphore(%run_scoped3A : memref<!tpu.dma_semaphore, #tpu.memory_space<semaphore_mem>>)
      %dma_wait3A_55 = arith.constant 0 : i32
      %dma_wait3A_56 = tpu.memref_slice %arg4[%add3A_45, %dma_wait3A_55] : memref<320000x16xf32, #tpu.memory_space<hbm>> -> memref<2000x16xf32, #tpu.memory_space<hbm>>
      %dma_wait3A_57 = arith.constant 0 : i32
      %dma_wait3A_58 = tpu.memref_slice %arg4[%add3A_45, %dma_wait3A_57] : memref<320000x16xf32, #tpu.memory_space<hbm>> -> memref<2000x16xf32, #tpu.memory_space<hbm>>
      tpu.wait_dma2 semaphore(%run_scoped3A : memref<!tpu.dma_semaphore, #tpu.memory_space<semaphore_mem>>) src(%arg9 : memref<2000x16xf32, #tpu.memory_space<vmem>>) dst(%dma_wait3A_58 : memref<2000x16xf32, #tpu.memory_space<hbm>>)
      tpu.yield
    }) : () -> ()
    %dma_wait3A_46 = arith.constant 0 : i32
    %dma_wait3A_47 = arith.constant 0 : i32
    %dma_wait3A_48 = tpu.memref_slice %arg5[%dma_wait3A_46, %dma_wait3A_47] : memref<10000x16xf32, #tpu.memory_space<vmem_shared>> -> memref<10000x16xf32, #tpu.memory_space<vmem_shared>>
    tpu.wait_indirect_dma semaphore(%arg10 : memref<!tpu.dma_semaphore, #tpu.memory_space<semaphore_mem>>) src(%dma_wait3A_48 : memref<10000x16xf32, #tpu.memory_space<vmem_shared>>) dst(%arg8 : memref<2000x16xf32, #tpu.memory_space<vmem>>)
    %add3A_49 = arith.constant 8000 : i32
    %add3A_50 = arith.addi %mul3A_4, %add3A_49 : i32
    "tpu.region"() ({
      %run_scoped3A = tpu.sem_alloc : memref<!tpu.dma_semaphore, #tpu.memory_space<semaphore_mem>>
      %dma_start3A_51 = arith.constant 0 : i32
      %dma_start3A_52 = tpu.memref_slice %arg4[%add3A_50, %dma_start3A_51] : memref<320000x16xf32, #tpu.memory_space<hbm>> -> memref<2000x16xf32, #tpu.memory_space<hbm>>
      %dma_start3A_53 = arith.constant 0 : i32
      %dma_start3A_54 = tpu.memref_slice %arg4[%add3A_50, %dma_start3A_53] : memref<320000x16xf32, #tpu.memory_space<hbm>> -> memref<2000x16xf32, #tpu.memory_space<hbm>>
      tpu.enqueue_dma source(%arg8 : memref<2000x16xf32, #tpu.memory_space<vmem>>) target(%dma_start3A_54 : memref<2000x16xf32, #tpu.memory_space<hbm>>) target_semaphore(%run_scoped3A : memref<!tpu.dma_semaphore, #tpu.memory_space<semaphore_mem>>)
      %dma_wait3A_55 = arith.constant 0 : i32
      %dma_wait3A_56 = tpu.memref_slice %arg4[%add3A_50, %dma_wait3A_55] : memref<320000x16xf32, #tpu.memory_space<hbm>> -> memref<2000x16xf32, #tpu.memory_space<hbm>>
      %dma_wait3A_57 = arith.constant 0 : i32
      %dma_wait3A_58 = tpu.memref_slice %arg4[%add3A_50, %dma_wait3A_57] : memref<320000x16xf32, #tpu.memory_space<hbm>> -> memref<2000x16xf32, #tpu.memory_space<hbm>>
      tpu.wait_dma2 semaphore(%run_scoped3A : memref<!tpu.dma_semaphore, #tpu.memory_space<semaphore_mem>>) src(%arg8 : memref<2000x16xf32, #tpu.memory_space<vmem>>) dst(%dma_wait3A_58 : memref<2000x16xf32, #tpu.memory_space<hbm>>)
      tpu.yield
    }) : () -> ()
    return
  }
}

module attributes {stable_mosaic.version = 14 : i64} {
  func.func @_k1_body(%arg0: i32, %arg1: memref<1000x128xf32, #tpu.memory_space<vmem>>, %arg2: memref<128x16xf32, #tpu.memory_space<vmem>>, %arg3: memref<128x16xf32, #tpu.memory_space<vmem>>, %arg4: memref<1x16xf32, #tpu.memory_space<vmem>>, %arg5: memref<1000x16xf32, #tpu.memory_space<vmem>>, %arg6: memref<1000x16xf32, #tpu.memory_space<vmem>>) attributes {dimension_semantics = [#tpu.dimension_semantics<arbitrary>], iteration_bounds = array<i64: 10>, scalar_prefetch = 0 : i64, scratch_operands = 0 : i64, tpu.core_type = #tpu.core_type<tc>, window_params = [{transform_indices = @transform_0, window_bounds = array<i64: 1000, 128>}, {pipeline_mode = #tpu.pipeline_mode<synchronous>, transform_indices = @transform_1, window_bounds = array<i64: 128, 16>}, {pipeline_mode = #tpu.pipeline_mode<synchronous>, transform_indices = @transform_2, window_bounds = array<i64: 128, 16>}, {pipeline_mode = #tpu.pipeline_mode<synchronous>, transform_indices = @transform_3, window_bounds = array<i64: 1, 16>}, {transform_indices = @transform_4, window_bounds = array<i64: 1000, 16>}, {transform_indices = @transform_5, window_bounds = array<i64: 1000, 16>}]} {
    %get3A = arith.constant 0 : index
    %get3A_0 = arith.constant 0 : index
    %get3A_1 = vector.load %arg1[%get3A, %get3A_0] : memref<1000x128xf32, #tpu.memory_space<vmem>>, vector<1000x128xf32>
    %get3A_2 = arith.constant 0 : index
    %get3A_3 = arith.constant 0 : index
    %get3A_4 = vector.load %arg2[%get3A_2, %get3A_3] : memref<128x16xf32, #tpu.memory_space<vmem>>, vector<128x16xf32>
    %dot_general3A = arith.constant dense<0.000000e+00> : vector<1000x16xf32>
    %dot_general3A_5 = tpu.matmul %get3A_1, %get3A_4, %dot_general3A {dimension_numbers = #tpu.dot_dimension_numbers<[1], [0], [0], [1], [0, 0, 1, 1], [], []>, transpose_lhs_hint = false} : vector<1000x128xf32>, vector<128x16xf32>, vector<1000x16xf32> -> vector<1000x16xf32>
    %get3A_6 = arith.constant 0 : index
    %get3A_7 = arith.constant 0 : index
    %get3A_8 = vector.load %arg4[%get3A_6, %get3A_7] : memref<1x16xf32, #tpu.memory_space<vmem>>, vector<1x16xf32>
    %add3A = vector.broadcast %get3A_8 : vector<1x16xf32> to vector<1000x16xf32>
    %add3A_9 = arith.addf %dot_general3A_5, %add3A : vector<1000x16xf32>
    %swap3A = arith.constant 0 : index
    %swap3A_10 = arith.constant 0 : index
    %swap3A_11 = vector.load %arg5[%swap3A, %swap3A_10] : memref<1000x16xf32, #tpu.memory_space<vmem>>, vector<1000x16xf32>
    tpu.vector_store %arg5[%swap3A, %swap3A_10], %add3A_9 {strides = array<i32>} : memref<1000x16xf32, #tpu.memory_space<vmem>>, vector<1000x16xf32>,
    %get3A_12 = arith.constant 0 : index
    %get3A_13 = arith.constant 0 : index
    %get3A_14 = vector.load %arg3[%get3A_12, %get3A_13] : memref<128x16xf32, #tpu.memory_space<vmem>>, vector<128x16xf32>
    %dot_general3A_15 = arith.constant dense<0.000000e+00> : vector<1000x16xf32>
    %dot_general3A_16 = tpu.matmul %get3A_1, %get3A_14, %dot_general3A_15 {dimension_numbers = #tpu.dot_dimension_numbers<[1], [0], [0], [1], [0, 0, 1, 1], [], []>, transpose_lhs_hint = false} : vector<1000x128xf32>, vector<128x16xf32>, vector<1000x16xf32> -> vector<1000x16xf32>
    %swap3A_17 = arith.constant 0 : index
    %swap3A_18 = arith.constant 0 : index
    %swap3A_19 = vector.load %arg6[%swap3A_17, %swap3A_18] : memref<1000x16xf32, #tpu.memory_space<vmem>>, vector<1000x16xf32>
    tpu.vector_store %arg6[%swap3A_17, %swap3A_18], %dot_general3A_16 {strides = array<i32>} : memref<1000x16xf32, #tpu.memory_space<vmem>>, vector<1000x16xf32>,
    return
  }
  func.func @transform_0(%arg0: i32) -> (i32, i32) {
    %c0_i32 = arith.constant 0 : i32
    %c0_i32_0 = arith.constant 0 : i32
    return %arg0, %c0_i32 : i32, i32
  }
  func.func @transform_1(%arg0: i32) -> (i32, i32) {
    %c0_i32 = arith.constant 0 : i32
    %c0_i32_0 = arith.constant 0 : i32
    %c0_i32_1 = arith.constant 0 : i32
    return %c0_i32, %c0_i32_0 : i32, i32
  }
  func.func @transform_2(%arg0: i32) -> (i32, i32) {
    %c0_i32 = arith.constant 0 : i32
    %c0_i32_0 = arith.constant 0 : i32
    %c0_i32_1 = arith.constant 0 : i32
    return %c0_i32, %c0_i32_0 : i32, i32
  }
  func.func @transform_3(%arg0: i32) -> (i32, i32) {
    %c0_i32 = arith.constant 0 : i32
    %c0_i32_0 = arith.constant 0 : i32
    %c0_i32_1 = arith.constant 0 : i32
    return %c0_i32, %c0_i32_0 : i32, i32
  }
  func.func @transform_4(%arg0: i32) -> (i32, i32) {
    %c0_i32 = arith.constant 0 : i32
    %c0_i32_0 = arith.constant 0 : i32
    return %arg0, %c0_i32 : i32, i32
  }
  func.func @transform_5(%arg0: i32) -> (i32, i32) {
    %c0_i32 = arith.constant 0 : i32
    %c0_i32_0 = arith.constant 0 : i32
    return %arg0, %c0_i32 : i32, i32
  }
}

module attributes {stable_mosaic.version = 14 : i64} {
  func.func @_mega_body(%arg0: i32, %arg1: i32, %arg2: memref<8192x128xf32, #tpu.memory_space<vmem>>, %arg3: memref<512x2048xf32, #tpu.memory_space<vmem>>, %arg4: memref<2048x16xf32, #tpu.memory_space<vmem>>, %arg5: memref<2048x128xf32, #tpu.memory_space<vmem>>, %arg6: memref<512x512xf32, #tpu.memory_space<vmem>>, %arg7: memref<16x512xf32, #tpu.memory_space<vmem>>, %arg8: memref<512x16xf32, #tpu.memory_space<vmem>>, %arg9: memref<16x128xf32, #tpu.memory_space<vmem>>, %arg10: memref<128x128xf32, #tpu.memory_space<vmem>>, %arg11: memref<1x128xf32, #tpu.memory_space<vmem>>, %arg12: memref<2x16xf32, #tpu.memory_space<vmem>>, %arg13: memref<2x128xf32, #tpu.memory_space<vmem>>, %arg14: memref<512x2048xf32, #tpu.memory_space<vmem>>, %arg15: memref<2048x128xf32, #tpu.memory_space<vmem>>, %arg16: memref<10240x512xbf16, #tpu.memory_space<vmem>>, %arg17: memref<10240x16xf32, #tpu.memory_space<vmem>>, %arg18: memref<10240x128xf32, #tpu.memory_space<vmem>>, %arg19: memref<2x512xf32, #tpu.memory_space<vmem>>, %arg20: memref<2x128xf32, #tpu.memory_space<vmem>>) attributes {dimension_semantics = [#tpu.dimension_semantics<arbitrary>, #tpu.dimension_semantics<arbitrary>], iteration_bounds = array<i64: 3, 5>, scalar_prefetch = 0 : i64, scratch_operands = 5 : i64, tpu.core_type = #tpu.core_type<tc>, window_params = [{transform_indices = @transform_0, window_bounds = array<i64: 8192, 128>}, {transform_indices = @transform_1, window_bounds = array<i64: 512, 2048>}, {transform_indices = @transform_2, window_bounds = array<i64: 2048, 16>}, {transform_indices = @transform_3, window_bounds = array<i64: 2048, 128>}, {pipeline_mode = #tpu.pipeline_mode<synchronous>, transform_indices = @transform_4, window_bounds = array<i64: 512, 512>}, {pipeline_mode = #tpu.pipeline_mode<synchronous>, transform_indices = @transform_5, window_bounds = array<i64: 16, 512>}, {pipeline_mode = #tpu.pipeline_mode<synchronous>, transform_indices = @transform_6, window_bounds = array<i64: 512, 16>}, {pipeline_mode = #tpu.pipeline_mode<synchronous>, transform_indices = @transform_7, window_bounds = array<i64: 16, 128>}, {pipeline_mode = #tpu.pipeline_mode<synchronous>, transform_indices = @transform_8, window_bounds = array<i64: 128, 128>}, {pipeline_mode = #tpu.pipeline_mode<synchronous>, transform_indices = @transform_9, window_bounds = array<i64: 1, 128>}, {pipeline_mode = #tpu.pipeline_mode<synchronous>, transform_indices = @transform_10, window_bounds = array<i64: 2, 16>}, {pipeline_mode = #tpu.pipeline_mode<synchronous>, transform_indices = @transform_11, window_bounds = array<i64: 2, 128>}, {transform_indices = @transform_12, window_bounds = array<i64: 512, 2048>}, {transform_indices = @transform_13, window_bounds = array<i64: 2048, 128>}]} {
    %iota3A = tpu.iota {dimensions = array<i32: 0>} : vector<2048x1xi32>
    %mul3A = arith.constant 2048 : i32
    %mul3A_0 = arith.muli %arg1, %mul3A : i32
    %add3A = vector.broadcast %mul3A_0 : i32 to vector<2048x1xi32>
    %add3A_1 = arith.addi %iota3A, %add3A : vector<2048x1xi32>
    %mul3A_2 = arith.constant 2048 : i32
    %mul3A_3 = arith.muli %arg1, %mul3A_2 : i32
    %eq3A = arith.constant 0 : i32
    %eq3A_4 = arith.cmpi eq, %arg0, %eq3A : i32
    %convert_element_type3A = arith.extui %eq3A_4 : i1 to i32
    %cond3A = arith.constant 0 : i32
    %cond3A_5 = arith.cmpi ne, %convert_element_type3A, %cond3A : i32
    scf.if %cond3A_5 {
      %get3A = arith.constant 0 : index
      %get3A_16 = arith.constant 0 : index
      %get3A_17 = vector.load %arg3[%get3A, %get3A_16] : memref<512x2048xf32, #tpu.memory_space<vmem>>, vector<512x2048xf32>
      %get3A_18 = arith.constant 0 : index
      %get3A_19 = arith.constant 0 : index
      %get3A_20 = vector.load %arg6[%get3A_18, %get3A_19] : memref<512x512xf32, #tpu.memory_space<vmem>>, vector<512x512xf32>
      %dot_general3A = arith.constant dense<0.000000e+00> : vector<2048x512xf32>
      %dot_general3A_21 = tpu.matmul %get3A_17, %get3A_20, %dot_general3A {dimension_numbers = #tpu.dot_dimension_numbers<[0], [0], [1], [1], [0, 1, 1, 1], [], []>, transpose_lhs_hint = false} : vector<512x2048xf32>, vector<512x512xf32>, vector<2048x512xf32> -> vector<2048x512xf32>
      %get3A_22 = arith.constant 0 : index
      %get3A_23 = arith.constant 0 : index
      %get3A_24 = vector.load %arg4[%get3A_22, %get3A_23] : memref<2048x16xf32, #tpu.memory_space<vmem>>, vector<2048x16xf32>
      %get3A_25 = arith.constant 0 : index
      %get3A_26 = arith.constant 0 : index
      %get3A_27 = vector.load %arg7[%get3A_25, %get3A_26] : memref<16x512xf32, #tpu.memory_space<vmem>>, vector<16x512xf32>
      %dot_general3A_28 = arith.constant dense<0.000000e+00> : vector<2048x512xf32>
      %dot_general3A_29 = tpu.matmul %get3A_24, %get3A_27, %dot_general3A_28 {dimension_numbers = #tpu.dot_dimension_numbers<[1], [0], [0], [1], [0, 0, 1, 1], [], []>, transpose_lhs_hint = false} : vector<2048x16xf32>, vector<16x512xf32>, vector<2048x512xf32> -> vector<2048x512xf32>
      %get3A_30 = arith.constant 0 : index
      %get3A_31 = arith.constant 0 : index
      %get3A_32 = vector.load %arg2[%get3A_30, %get3A_31] : memref<8192x128xf32, #tpu.memory_space<vmem>>, vector<8192x128xf32>
      %reshape3A = vector.shape_cast %get3A_32 : vector<8192x128xf32> to vector<2048x512xf32>
      %add3A_33 = arith.addf %reshape3A, %dot_general3A_21 : vector<2048x512xf32>
      %add3A_34 = arith.addf %add3A_33, %dot_general3A_29 : vector<2048x512xf32>
      %tanh3A = math.tanh %add3A_34 : vector<2048x512xf32>
      %convert_element_type3A_35 = arith.truncf %tanh3A : vector<2048x512xf32> to vector<2048x512xbf16>
      %swap3A = arith.index_cast %mul3A_3 : i32 to index
      %swap3A_36 = arith.constant 0 : index
      %swap3A_37 = vector.load %arg16[%swap3A, %swap3A_36] : memref<10240x512xbf16, #tpu.memory_space<vmem>>, vector<2048x512xbf16>
      tpu.vector_store %arg16[%swap3A, %swap3A_36], %convert_element_type3A_35 {strides = array<i32>} : memref<10240x512xbf16, #tpu.memory_space<vmem>>, vector<2048x512xbf16>,
      %lt3A = arith.constant 10000 : i32
      %lt3A_38 = vector.broadcast %lt3A : i32 to vector<2048x1xi32>
      %lt3A_39 = arith.cmpi slt, %add3A_1, %lt3A_38 : vector<2048x1xi32>
      %jit3A = arith.constant 0.000000e+00 : f32
      %broadcast_in_dim3A = vector.shape_cast %lt3A_39 : vector<2048x1xi1> to vector<2048x1xi1>
      %broadcast_in_dim3A_40 = vector.broadcast %broadcast_in_dim3A : vector<2048x1xi1> to vector<2048x512xi1>
      %broadcast_in_dim3A_41 = vector.broadcast %jit3A : f32 to vector<2048x512xf32>
      %select_n3A = arith.select %broadcast_in_dim3A_40, %tanh3A, %broadcast_in_dim3A_41 : vector<2048x512xi1>, vector<2048x512xf32>
      %get3A_42 = arith.constant 0 : index
      %get3A_43 = arith.constant 0 : index
      %get3A_44 = vector.load %arg8[%get3A_42, %get3A_43] : memref<512x16xf32, #tpu.memory_space<vmem>>, vector<512x16xf32>
      %dot_general3A_45 = arith.constant dense<0.000000e+00> : vector<2048x16xf32>
      %dot_general3A_46 = tpu.matmul %select_n3A, %get3A_44, %dot_general3A_45 {dimension_numbers = #tpu.dot_dimension_numbers<[1], [0], [0], [1], [0, 0, 1, 1], [], []>, transpose_lhs_hint = false} : vector<2048x512xf32>, vector<512x16xf32>, vector<2048x16xf32> -> vector<2048x16xf32>
      %swap3A_47 = arith.index_cast %mul3A_3 : i32 to index
      %swap3A_48 = arith.constant 0 : index
      %swap3A_49 = vector.load %arg17[%swap3A_47, %swap3A_48] : memref<10240x16xf32, #tpu.memory_space<vmem>>, vector<2048x16xf32>
      tpu.vector_store %arg17[%swap3A_47, %swap3A_48], %dot_general3A_46 {strides = array<i32>} : memref<10240x16xf32, #tpu.memory_space<vmem>>, vector<2048x16xf32>,
      %reduce_sum3A = arith.constant dense<0.000000e+00> : vector<512xf32>
      %reduce_sum3A_50 = vector.multi_reduction <add>, %select_n3A, %reduce_sum3A [0] : vector<2048x512xf32> to vector<512xf32>
      %broadcast_in_dim3A_51 = vector.shape_cast %reduce_sum3A_50 : vector<512xf32> to vector<1x512xf32>
      %mul3A_52 = arith.mulf %select_n3A, %select_n3A : vector<2048x512xf32>
      %reduce_sum3A_53 = arith.constant dense<0.000000e+00> : vector<512xf32>
      %reduce_sum3A_54 = vector.multi_reduction <add>, %mul3A_52, %reduce_sum3A_53 [0] : vector<2048x512xf32> to vector<512xf32>
      %broadcast_in_dim3A_55 = vector.shape_cast %reduce_sum3A_54 : vector<512xf32> to vector<1x512xf32>
      %concatenate3A = tpu.concatenate %broadcast_in_dim3A_51, %broadcast_in_dim3A_55 in 0 : vector<1x512xf32>, vector<1x512xf32> -> vector<2x512xf32>
      %eq3A_56 = arith.constant 0 : i32
      %eq3A_57 = arith.cmpi eq, %arg1, %eq3A_56 : i32
      %convert_element_type3A_58 = arith.extui %eq3A_57 : i1 to i32
      %cond3A_59 = arith.constant 0 : i32
      %cond3A_60 = arith.cmpi ne, %convert_element_type3A_58, %cond3A_59 : i32
      scf.if %cond3A_60 {
        %swap3A_65 = arith.constant 0 : index
        %swap3A_66 = arith.constant 0 : index
        %swap3A_67 = vector.load %arg19[%swap3A_65, %swap3A_66] : memref<2x512xf32, #tpu.memory_space<vmem>>, vector<2x512xf32>
        tpu.vector_store %arg19[%swap3A_65, %swap3A_66], %concatenate3A {strides = array<i32>} : memref<2x512xf32, #tpu.memory_space<vmem>>, vector<2x512xf32>,
      } else {
      }
      %ne3A = arith.constant 0 : i32
      %ne3A_61 = arith.cmpi ne, %arg1, %ne3A : i32
      %convert_element_type3A_62 = arith.extui %ne3A_61 : i1 to i32
      %cond3A_63 = arith.constant 0 : i32
      %cond3A_64 = arith.cmpi ne, %convert_element_type3A_62, %cond3A_63 : i32
      scf.if %cond3A_64 {
        %get3A_65 = arith.constant 0 : index
        %get3A_66 = arith.constant 0 : index
        %get3A_67 = vector.load %arg19[%get3A_65, %get3A_66] : memref<2x512xf32, #tpu.memory_space<vmem>>, vector<2x512xf32>
        %add3A_68 = arith.addf %get3A_67, %concatenate3A : vector<2x512xf32>
        %swap3A_69 = arith.constant 0 : index
        %swap3A_70 = arith.constant 0 : index
        %swap3A_71 = vector.load %arg19[%swap3A_69, %swap3A_70] : memref<2x512xf32, #tpu.memory_space<vmem>>, vector<2x512xf32>
        tpu.vector_store %arg19[%swap3A_69, %swap3A_70], %add3A_68 {strides = array<i32>} : memref<2x512xf32, #tpu.memory_space<vmem>>, vector<2x512xf32>,
      } else {
      }
    } else {
    }
    %eq3A_6 = arith.constant 1 : i32
    %eq3A_7 = arith.cmpi eq, %arg0, %eq3A_6 : i32
    %convert_element_type3A_8 = arith.extui %eq3A_7 : i1 to i32
    %cond3A_9 = arith.constant 0 : i32
    %cond3A_10 = arith.cmpi ne, %convert_element_type3A_8, %cond3A_9 : i32
    scf.if %cond3A_10 {
      %get3A = arith.constant 0 : index
      %get3A_16 = arith.constant 0 : index
      %get3A_17 = vector.load %arg19[%get3A, %get3A_16] : memref<2x512xf32, #tpu.memory_space<vmem>>, vector<2x512xf32>
      %get3A_18 = arith.constant 0 : index
      %get3A_19 = arith.constant 0 : index
      %get3A_20 = vector.load %arg7[%get3A_18, %get3A_19] : memref<16x512xf32, #tpu.memory_space<vmem>>, vector<16x512xf32>
      %dot_general3A = arith.constant dense<0.000000e+00> : vector<2x16xf32>
      %dot_general3A_21 = tpu.matmul %get3A_17, %get3A_20, %dot_general3A {dimension_numbers = #tpu.dot_dimension_numbers<[1], [1], [0], [0], [0, 0, 1, 0], [], []>, transpose_lhs_hint = false} : vector<2x512xf32>, vector<16x512xf32>, vector<2x16xf32> -> vector<2x16xf32>
      %slice3A = vector.extract_strided_slice %dot_general3A_21 {offsets = [0, 0], sizes = [1, 16], strides = [1, 1]} : vector<2x16xf32> to vector<1x16xf32>
      %mul3A_22 = arith.constant 3.125000e-06 : f32
      %mul3A_23 = vector.broadcast %mul3A_22 : f32 to vector<1x16xf32>
      %mul3A_24 = arith.mulf %slice3A, %mul3A_23 : vector<1x16xf32>
      %slice3A_25 = vector.extract_strided_slice %dot_general3A_21 {offsets = [1, 0], sizes = [1, 16], strides = [1, 1]} : vector<2x16xf32> to vector<1x16xf32>
      %mul3A_26 = arith.constant 3.125000e-06 : f32
      %mul3A_27 = vector.broadcast %mul3A_26 : f32 to vector<1x16xf32>
      %mul3A_28 = arith.mulf %slice3A_25, %mul3A_27 : vector<1x16xf32>
      %mul3A_29 = arith.mulf %mul3A_24, %mul3A_24 : vector<1x16xf32>
      %sub3A = arith.subf %mul3A_28, %mul3A_29 : vector<1x16xf32>
      %get3A_30 = arith.constant 0 : index
      %get3A_31 = arith.constant 0 : index
      %get3A_32 = vector.load %arg12[%get3A_30, %get3A_31] : memref<2x16xf32, #tpu.memory_space<vmem>>, vector<1x16xf32>
      %add3A_33 = arith.constant 9.99999974E-6 : f32
      %add3A_34 = vector.broadcast %add3A_33 : f32 to vector<1x16xf32>
      %add3A_35 = arith.addf %sub3A, %add3A_34 : vector<1x16xf32>
      %rsqrt3A = math.rsqrt %add3A_35 : vector<1x16xf32>
      %mul3A_36 = arith.mulf %get3A_32, %rsqrt3A : vector<1x16xf32>
      %get3A_37 = arith.constant 1 : index
      %get3A_38 = arith.constant 0 : index
      %get3A_39 = vector.load %arg12[%get3A_37, %get3A_38] : memref<2x16xf32, #tpu.memory_space<vmem>>, vector<1x16xf32>
      %mul3A_40 = arith.mulf %mul3A_24, %mul3A_36 : vector<1x16xf32>
      %sub3A_41 = arith.subf %get3A_39, %mul3A_40 : vector<1x16xf32>
      %get3A_42 = arith.constant 0 : index
      %get3A_43 = arith.constant 0 : index
      %get3A_44 = vector.load %arg7[%get3A_42, %get3A_43] : memref<16x512xf32, #tpu.memory_space<vmem>>, vector<16x512xf32>
      %dot_general3A_45 = arith.constant dense<0.000000e+00> : vector<1x512xf32>
      %dot_general3A_46 = tpu.matmul %mul3A_36, %get3A_44, %dot_general3A_45 {dimension_numbers = #tpu.dot_dimension_numbers<[1], [0], [0], [1], [0, 0, 1, 1], [], []>, transpose_lhs_hint = false} : vector<1x16xf32>, vector<16x512xf32>, vector<1x512xf32> -> vector<1x512xf32>
      %get3A_47 = arith.constant 0 : index
      %get3A_48 = arith.constant 0 : index
      %get3A_49 = vector.load %arg7[%get3A_47, %get3A_48] : memref<16x512xf32, #tpu.memory_space<vmem>>, vector<16x512xf32>
      %dot_general3A_50 = arith.constant dense<0.000000e+00> : vector<1x512xf32>
      %dot_general3A_51 = tpu.matmul %sub3A_41, %get3A_49, %dot_general3A_50 {dimension_numbers = #tpu.dot_dimension_numbers<[1], [0], [0], [1], [0, 0, 1, 1], [], []>, transpose_lhs_hint = false} : vector<1x16xf32>, vector<16x512xf32>, vector<1x512xf32> -> vector<1x512xf32>
      %get3A_52 = arith.index_cast %mul3A_3 : i32 to index
      %get3A_53 = arith.constant 0 : index
      %get3A_54 = vector.load %arg16[%get3A_52, %get3A_53] : memref<10240x512xbf16, #tpu.memory_space<vmem>>, vector<2048x512xbf16>
      %convert_element_type3A_55 = arith.extf %get3A_54 : vector<2048x512xbf16> to vector<2048x512xf32>
      %mul3A_56 = vector.broadcast %dot_general3A_46 : vector<1x512xf32> to vector<2048x512xf32>
      %mul3A_57 = arith.mulf %convert_element_type3A_55, %mul3A_56 : vector<2048x512xf32>
      %add3A_58 = vector.broadcast %dot_general3A_51 : vector<1x512xf32> to vector<2048x512xf32>
      %add3A_59 = arith.addf %mul3A_57, %add3A_58 : vector<2048x512xf32>
      %transpose3A = tpu.transpose %add3A_59, [1, 0] : vector<2048x512xf32> -> vector<512x2048xf32>
      %swap3A = arith.constant 0 : index
      %swap3A_60 = arith.constant 0 : index
      %swap3A_61 = vector.load %arg14[%swap3A, %swap3A_60] : memref<512x2048xf32, #tpu.memory_space<vmem>>, vector<512x2048xf32>
      tpu.vector_store %arg14[%swap3A, %swap3A_60], %transpose3A {strides = array<i32>} : memref<512x2048xf32, #tpu.memory_space<vmem>>, vector<512x2048xf32>,
      %get3A_62 = arith.index_cast %mul3A_3 : i32 to index
      %get3A_63 = arith.constant 0 : index
      %get3A_64 = vector.load %arg17[%get3A_62, %get3A_63] : memref<10240x16xf32, #tpu.memory_space<vmem>>, vector<2048x16xf32>
      %mul3A_65 = vector.broadcast %mul3A_36 : vector<1x16xf32> to vector<2048x16xf32>
      %mul3A_66 = arith.mulf %get3A_64, %mul3A_65 : vector<2048x16xf32>
      %add3A_67 = vector.broadcast %sub3A_41 : vector<1x16xf32> to vector<2048x16xf32>
      %add3A_68 = arith.addf %mul3A_66, %add3A_67 : vector<2048x16xf32>
      %get3A_69 = arith.constant 0 : index
      %get3A_70 = arith.constant 0 : index
      %get3A_71 = vector.load %arg9[%get3A_69, %get3A_70] : memref<16x128xf32, #tpu.memory_space<vmem>>, vector<16x128xf32>
      %dot_general3A_72 = arith.constant dense<0.000000e+00> : vector<2048x128xf32>
      %dot_general3A_73 = tpu.matmul %add3A_68, %get3A_71, %dot_general3A_72 {dimension_numbers = #tpu.dot_dimension_numbers<[1], [0], [0], [1], [0, 0, 1, 1], [], []>, transpose_lhs_hint = false} : vector<2048x16xf32>, vector<16x128xf32>, vector<2048x128xf32> -> vector<2048x128xf32>
      %get3A_74 = arith.constant 0 : index
      %get3A_75 = arith.constant 0 : index
      %get3A_76 = vector.load %arg5[%get3A_74, %get3A_75] : memref<2048x128xf32, #tpu.memory_space<vmem>>, vector<2048x128xf32>
      %get3A_77 = arith.constant 0 : index
      %get3A_78 = arith.constant 0 : index
      %get3A_79 = vector.load %arg10[%get3A_77, %get3A_78] : memref<128x128xf32, #tpu.memory_space<vmem>>, vector<128x128xf32>
      %dot_general3A_80 = arith.constant dense<0.000000e+00> : vector<2048x128xf32>
      %dot_general3A_81 = tpu.matmul %get3A_76, %get3A_79, %dot_general3A_80 {dimension_numbers = #tpu.dot_dimension_numbers<[1], [0], [0], [1], [0, 0, 1, 1], [], []>, transpose_lhs_hint = false} : vector<2048x128xf32>, vector<128x128xf32>, vector<2048x128xf32> -> vector<2048x128xf32>
      %add3A_82 = arith.addf %dot_general3A_73, %dot_general3A_81 : vector<2048x128xf32>
      %get3A_83 = arith.constant 0 : index
      %get3A_84 = arith.constant 0 : index
      %get3A_85 = vector.load %arg11[%get3A_83, %get3A_84] : memref<1x128xf32, #tpu.memory_space<vmem>>, vector<1x128xf32>
      %add3A_86 = vector.broadcast %get3A_85 : vector<1x128xf32> to vector<2048x128xf32>
      %add3A_87 = arith.addf %add3A_82, %add3A_86 : vector<2048x128xf32>
      %tanh3A = math.tanh %add3A_87 : vector<2048x128xf32>
      %swap3A_88 = arith.index_cast %mul3A_3 : i32 to index
      %swap3A_89 = arith.constant 0 : index
      %swap3A_90 = vector.load %arg18[%swap3A_88, %swap3A_89] : memref<10240x128xf32, #tpu.memory_space<vmem>>, vector<2048x128xf32>
      tpu.vector_store %arg18[%swap3A_88, %swap3A_89], %tanh3A {strides = array<i32>} : memref<10240x128xf32, #tpu.memory_space<vmem>>, vector<2048x128xf32>,
      %lt3A = arith.constant 10000 : i32
      %lt3A_91 = vector.broadcast %lt3A : i32 to vector<2048x1xi32>
      %lt3A_92 = arith.cmpi slt, %add3A_1, %lt3A_91 : vector<2048x1xi32>
      %jit3A = arith.constant 0.000000e+00 : f32
      %broadcast_in_dim3A = vector.shape_cast %lt3A_92 : vector<2048x1xi1> to vector<2048x1xi1>
      %broadcast_in_dim3A_93 = vector.broadcast %broadcast_in_dim3A : vector<2048x1xi1> to vector<2048x128xi1>
      %broadcast_in_dim3A_94 = vector.broadcast %jit3A : f32 to vector<2048x128xf32>
      %select_n3A = arith.select %broadcast_in_dim3A_93, %tanh3A, %broadcast_in_dim3A_94 : vector<2048x128xi1>, vector<2048x128xf32>
      %reduce_sum3A = arith.constant dense<0.000000e+00> : vector<128xf32>
      %reduce_sum3A_95 = vector.multi_reduction <add>, %select_n3A, %reduce_sum3A [0] : vector<2048x128xf32> to vector<128xf32>
      %broadcast_in_dim3A_96 = vector.shape_cast %reduce_sum3A_95 : vector<128xf32> to vector<1x128xf32>
      %mul3A_97 = arith.mulf %select_n3A, %select_n3A : vector<2048x128xf32>
      %reduce_sum3A_98 = arith.constant dense<0.000000e+00> : vector<128xf32>
      %reduce_sum3A_99 = vector.multi_reduction <add>, %mul3A_97, %reduce_sum3A_98 [0] : vector<2048x128xf32> to vector<128xf32>
      %broadcast_in_dim3A_100 = vector.shape_cast %reduce_sum3A_99 : vector<128xf32> to vector<1x128xf32>
      %concatenate3A = tpu.concatenate %broadcast_in_dim3A_96, %broadcast_in_dim3A_100 in 0 : vector<1x128xf32>, vector<1x128xf32> -> vector<2x128xf32>
      %eq3A_101 = arith.constant 0 : i32
      %eq3A_102 = arith.cmpi eq, %arg1, %eq3A_101 : i32
      %convert_element_type3A_103 = arith.extui %eq3A_102 : i1 to i32
      %cond3A_104 = arith.constant 0 : i32
      %cond3A_105 = arith.cmpi ne, %convert_element_type3A_103, %cond3A_104 : i32
      scf.if %cond3A_105 {
        %swap3A_110 = arith.constant 0 : index
        %swap3A_111 = arith.constant 0 : index
        %swap3A_112 = vector.load %arg20[%swap3A_110, %swap3A_111] : memref<2x128xf32, #tpu.memory_space<vmem>>, vector<2x128xf32>
        tpu.vector_store %arg20[%swap3A_110, %swap3A_111], %concatenate3A {strides = array<i32>} : memref<2x128xf32, #tpu.memory_space<vmem>>, vector<2x128xf32>,
      } else {
      }
      %ne3A = arith.constant 0 : i32
      %ne3A_106 = arith.cmpi ne, %arg1, %ne3A : i32
      %convert_element_type3A_107 = arith.extui %ne3A_106 : i1 to i32
      %cond3A_108 = arith.constant 0 : i32
      %cond3A_109 = arith.cmpi ne, %convert_element_type3A_107, %cond3A_108 : i32
      scf.if %cond3A_109 {
        %get3A_110 = arith.constant 0 : index
        %get3A_111 = arith.constant 0 : index
        %get3A_112 = vector.load %arg20[%get3A_110, %get3A_111] : memref<2x128xf32, #tpu.memory_space<vmem>>, vector<2x128xf32>
        %add3A_113 = arith.addf %get3A_112, %concatenate3A : vector<2x128xf32>
        %swap3A_114 = arith.constant 0 : index
        %swap3A_115 = arith.constant 0 : index
        %swap3A_116 = vector.load %arg20[%swap3A_114, %swap3A_115] : memref<2x128xf32, #tpu.memory_space<vmem>>, vector<2x128xf32>
        tpu.vector_store %arg20[%swap3A_114, %swap3A_115], %add3A_113 {strides = array<i32>} : memref<2x128xf32, #tpu.memory_space<vmem>>, vector<2x128xf32>,
      } else {
      }
    } else {
    }
    %eq3A_11 = arith.constant 2 : i32
    %eq3A_12 = arith.cmpi eq, %arg0, %eq3A_11 : i32
    %convert_element_type3A_13 = arith.extui %eq3A_12 : i1 to i32
    %cond3A_14 = arith.constant 0 : i32
    %cond3A_15 = arith.cmpi ne, %convert_element_type3A_13, %cond3A_14 : i32
    scf.if %cond3A_15 {
      %get3A = arith.constant 0 : index
      %get3A_16 = arith.constant 0 : index
      %get3A_17 = vector.load %arg20[%get3A, %get3A_16] : memref<2x128xf32, #tpu.memory_space<vmem>>, vector<1x128xf32>
      %mul3A_18 = arith.constant 9.99999974E-5 : f32
      %mul3A_19 = vector.broadcast %mul3A_18 : f32 to vector<1x128xf32>
      %mul3A_20 = arith.mulf %get3A_17, %mul3A_19 : vector<1x128xf32>
      %get3A_21 = arith.constant 1 : index
      %get3A_22 = arith.constant 0 : index
      %get3A_23 = vector.load %arg20[%get3A_21, %get3A_22] : memref<2x128xf32, #tpu.memory_space<vmem>>, vector<1x128xf32>
      %mul3A_24 = arith.constant 9.99999974E-5 : f32
      %mul3A_25 = vector.broadcast %mul3A_24 : f32 to vector<1x128xf32>
      %mul3A_26 = arith.mulf %get3A_23, %mul3A_25 : vector<1x128xf32>
      %mul3A_27 = arith.mulf %mul3A_20, %mul3A_20 : vector<1x128xf32>
      %sub3A = arith.subf %mul3A_26, %mul3A_27 : vector<1x128xf32>
      %get3A_28 = arith.constant 0 : index
      %get3A_29 = arith.constant 0 : index
      %get3A_30 = vector.load %arg13[%get3A_28, %get3A_29] : memref<2x128xf32, #tpu.memory_space<vmem>>, vector<1x128xf32>
      %add3A_31 = arith.constant 9.99999974E-6 : f32
      %add3A_32 = vector.broadcast %add3A_31 : f32 to vector<1x128xf32>
      %add3A_33 = arith.addf %sub3A, %add3A_32 : vector<1x128xf32>
      %rsqrt3A = math.rsqrt %add3A_33 : vector<1x128xf32>
      %mul3A_34 = arith.mulf %get3A_30, %rsqrt3A : vector<1x128xf32>
      %get3A_35 = arith.constant 1 : index
      %get3A_36 = arith.constant 0 : index
      %get3A_37 = vector.load %arg13[%get3A_35, %get3A_36] : memref<2x128xf32, #tpu.memory_space<vmem>>, vector<1x128xf32>
      %mul3A_38 = arith.mulf %mul3A_20, %mul3A_34 : vector<1x128xf32>
      %sub3A_39 = arith.subf %get3A_37, %mul3A_38 : vector<1x128xf32>
      %get3A_40 = arith.index_cast %mul3A_3 : i32 to index
      %get3A_41 = arith.constant 0 : index
      %get3A_42 = vector.load %arg18[%get3A_40, %get3A_41] : memref<10240x128xf32, #tpu.memory_space<vmem>>, vector<2048x128xf32>
      %mul3A_43 = vector.broadcast %mul3A_34 : vector<1x128xf32> to vector<2048x128xf32>
      %mul3A_44 = arith.mulf %get3A_42, %mul3A_43 : vector<2048x128xf32>
      %add3A_45 = vector.broadcast %sub3A_39 : vector<1x128xf32> to vector<2048x128xf32>
      %add3A_46 = arith.addf %mul3A_44, %add3A_45 : vector<2048x128xf32>
      %swap3A = arith.constant 0 : index
      %swap3A_47 = arith.constant 0 : index
      %swap3A_48 = vector.load %arg15[%swap3A, %swap3A_47] : memref<2048x128xf32, #tpu.memory_space<vmem>>, vector<2048x128xf32>
      tpu.vector_store %arg15[%swap3A, %swap3A_47], %add3A_46 {strides = array<i32>} : memref<2048x128xf32, #tpu.memory_space<vmem>>, vector<2048x128xf32>,
    } else {
    }
    return
  }
  func.func @transform_0(%arg0: i32, %arg1: i32) -> (i32, i32) {
    %eq3A = arith.constant 0 : i32
    %eq3A_0 = arith.cmpi eq, %arg0, %eq3A : i32
    %jit3A = arith.constant 4 : i32
    %select_n3A = arith.select %eq3A_0, %arg1, %jit3A : i32
    %c0_i32 = arith.constant 0 : i32
    %c0_i32_1 = arith.constant 0 : i32
    return %select_n3A, %c0_i32 : i32, i32
  }
  func.func @transform_1(%arg0: i32, %arg1: i32) -> (i32, i32) {
    %eq3A = arith.constant 0 : i32
    %eq3A_0 = arith.cmpi eq, %arg0, %eq3A : i32
    %jit3A = arith.constant 4 : i32
    %select_n3A = arith.select %eq3A_0, %arg1, %jit3A : i32
    %c0_i32 = arith.constant 0 : i32
    %c0_i32_1 = arith.constant 0 : i32
    return %c0_i32, %select_n3A : i32, i32
  }
  func.func @transform_2(%arg0: i32, %arg1: i32) -> (i32, i32) {
    %eq3A = arith.constant 0 : i32
    %eq3A_0 = arith.cmpi eq, %arg0, %eq3A : i32
    %jit3A = arith.constant 4 : i32
    %select_n3A = arith.select %eq3A_0, %arg1, %jit3A : i32
    %c0_i32 = arith.constant 0 : i32
    %c0_i32_1 = arith.constant 0 : i32
    return %select_n3A, %c0_i32 : i32, i32
  }
  func.func @transform_3(%arg0: i32, %arg1: i32) -> (i32, i32) {
    %eq3A = arith.constant 0 : i32
    %eq3A_0 = arith.cmpi eq, %arg0, %eq3A : i32
    %eq3A_1 = arith.constant 1 : i32
    %eq3A_2 = arith.cmpi eq, %arg0, %eq3A_1 : i32
    %jit3A = arith.constant 4 : i32
    %select_n3A = arith.select %eq3A_2, %arg1, %jit3A : i32
    %jit3A_3 = arith.constant 0 : i32
    %select_n3A_4 = arith.select %eq3A_0, %jit3A_3, %select_n3A : i32
    %c0_i32 = arith.constant 0 : i32
    %c0_i32_5 = arith.constant 0 : i32
    return %select_n3A_4, %c0_i32 : i32, i32
  }
  func.func @transform_4(%arg0: i32, %arg1: i32) -> (i32, i32) {
    %c0_i32 = arith.constant 0 : i32
    %c0_i32_0 = arith.constant 0 : i32
    %c0_i32_1 = arith.constant 0 : i32
    return %c0_i32, %c0_i32_0 : i32, i32
  }
  func.func @transform_5(%arg0: i32, %arg1: i32) -> (i32, i32) {
    %c0_i32 = arith.constant 0 : i32
    %c0_i32_0 = arith.constant 0 : i32
    %c0_i32_1 = arith.constant 0 : i32
    return %c0_i32, %c0_i32_0 : i32, i32
  }
  func.func @transform_6(%arg0: i32, %arg1: i32) -> (i32, i32) {
    %c0_i32 = arith.constant 0 : i32
    %c0_i32_0 = arith.constant 0 : i32
    %c0_i32_1 = arith.constant 0 : i32
    return %c0_i32, %c0_i32_0 : i32, i32
  }
  func.func @transform_7(%arg0: i32, %arg1: i32) -> (i32, i32) {
    %c0_i32 = arith.constant 0 : i32
    %c0_i32_0 = arith.constant 0 : i32
    %c0_i32_1 = arith.constant 0 : i32
    return %c0_i32, %c0_i32_0 : i32, i32
  }
  func.func @transform_8(%arg0: i32, %arg1: i32) -> (i32, i32) {
    %c0_i32 = arith.constant 0 : i32
    %c0_i32_0 = arith.constant 0 : i32
    %c0_i32_1 = arith.constant 0 : i32
    return %c0_i32, %c0_i32_0 : i32, i32
  }
  func.func @transform_9(%arg0: i32, %arg1: i32) -> (i32, i32) {
    %c0_i32 = arith.constant 0 : i32
    %c0_i32_0 = arith.constant 0 : i32
    %c0_i32_1 = arith.constant 0 : i32
    return %c0_i32, %c0_i32_0 : i32, i32
  }
  func.func @transform_10(%arg0: i32, %arg1: i32) -> (i32, i32) {
    %c0_i32 = arith.constant 0 : i32
    %c0_i32_0 = arith.constant 0 : i32
    %c0_i32_1 = arith.constant 0 : i32
    return %c0_i32, %c0_i32_0 : i32, i32
  }
  func.func @transform_11(%arg0: i32, %arg1: i32) -> (i32, i32) {
    %c0_i32 = arith.constant 0 : i32
    %c0_i32_0 = arith.constant 0 : i32
    %c0_i32_1 = arith.constant 0 : i32
    return %c0_i32, %c0_i32_0 : i32, i32
  }
  func.func @transform_12(%arg0: i32, %arg1: i32) -> (i32, i32) {
    %eq3A = arith.constant 0 : i32
    %eq3A_0 = arith.cmpi eq, %arg0, %eq3A : i32
    %eq3A_1 = arith.constant 1 : i32
    %eq3A_2 = arith.cmpi eq, %arg0, %eq3A_1 : i32
    %jit3A = arith.constant 4 : i32
    %select_n3A = arith.select %eq3A_2, %arg1, %jit3A : i32
    %jit3A_3 = arith.constant 0 : i32
    %select_n3A_4 = arith.select %eq3A_0, %jit3A_3, %select_n3A : i32
    %c0_i32 = arith.constant 0 : i32
    %c0_i32_5 = arith.constant 0 : i32
    return %c0_i32, %select_n3A_4 : i32, i32
  }
  func.func @transform_13(%arg0: i32, %arg1: i32) -> (i32, i32) {
    %eq3A = arith.constant 2 : i32
    %eq3A_0 = arith.cmpi eq, %arg0, %eq3A : i32
    %jit3A = arith.constant 0 : i32
    %select_n3A = arith.select %eq3A_0, %arg1, %jit3A : i32
    %c0_i32 = arith.constant 0 : i32
    %c0_i32_1 = arith.constant 0 : i32
    return %select_n3A, %c0_i32 : i32, i32
  }
}

</mosaic_0001>

<sc_bundles>
// kernel: kernel.5.cloned.1.call-start
scs
__scs_entry_jumppad:
0x0: {  	(pc) =	sbr.rel $0x88, $3  }
0x1: {  	(tag) =	ssettag $0x0;
	lr =	simm.s32 $0x1  }
0x2: {  	[smem:$0x3F96] =	sst lr;
	_ =	strace $0xD0000000  }
0x3: {  	_ = 	snop  }
0x4: {  	_ = 	snop  }
0x5: {  	_ = 	snop  }
0x6: {  	_ = 	snop  }
0x7: {  	_ = 	snop  }
__scs_overlays_trampoline_lowered:
0x8: {  	[smem:$0x3FA5] =	sst s0  }
0x9: {  	[smem:$0x3FA6] =	sst s1  }
0xa: {  	[smem:$0x3FA7] =	sst s2  }
0xb: {  	[smem:$0x3FA8] =	sst s3  }
0xc: {  	[smem:$0x3FA9] =	sst s4  }
0xd: {  	[smem:$0x3FAA] =	sst s5  }
0xe: {  	[smem:$0x3FAB] =	sst s6  }
0xf: {  	[smem:$0x3FAC] =	sst s7  }
0x10: {  	[smem:$0x3FAD] =	sst s8  }
0x11: {  	[smem:$0x3FAE] =	sst s9;
	s0 =	simm.s32 @!p0 $0x0  }
0x12: {  	s1 =	sld [smem:$0x3F94];
	s0 =	simm.s32 @p0 $0x1  }
0x13: {  	[smem:$0x3FAF] =	sst s0;
	s0 =	simm.s32 @!p1 $0x0  }
0x14: {  	s2 =	sld [smem:$0x3F93];
	s0 =	simm.s32 @p1 $0x1  }
0x15: {  	[smem:$0x3FB0] =	sst s0;
	s0 =	simm.s32 @!p2 $0x0  }
0x16: {  	s3 =	sld [smem:$0x3FDB];
	s0 =	simm.s32 @p2 $0x1  }
0x17: {  	s4 =	simm.s32 $0x1BF5;
	[smem:$0x3FB2] =	sst s0  }
0x18: {  	s0 =	sld [smem:$0x3F95];
	_ =	swait.ge [sflag:s4], $0x0  }
0x19: {  	s7 =	sld [smem:$0x3F96]  }
0x1a: {  	s8 =	sadd.s32 $0xFFFFE003, lr  }
0x1b: {  	s9 =	sadd.s32 $0xFFFFFEF7, lr;
	s5 =	simm.s32 $0xFFFFFFFF;
	p2 =	slt.u32 s8, $0xFFFFF086  }
0x1c: {  	p1 =	slt.u32 s9, $0xF7A;
	s5 =	simm.s32 @!p2 $0x0  }
0x1d: {  	s5 =	simm.s32 @p1 $0x1;
	p0 =	seq.s32 s7, s2  }
0x1e: {  	s7 =	smul.u32 @!p0 $0xF7A, s2;
	p2 =	seq.s32 @!p0 s5, $0x0  }
0x1f: {  	s9 =	smul.u32 $0xF7A, s1;
	s8 =	simm.s32 @!p0 $0x1BF5;
	p2 =	por !p2, p0  }
0x20: {  	[sflag:s8] =	ssyncset.s32 @!p0 $0xFFFFF086;
	s6 =	sadd.s32 @!p0 s3, s7;
	s7 =	simm.s32 @!p0 $0x108  }
0x21: {  	s3 =	sadd.s32 s3, s9;
	s6 =	sadd.s32 @!p0 $0x88, s6;
	s7 =	simm.s32 @p2 $0x1082  }
0x22: {  	[simem:s7], [sflag:s8] =	dma.local @!p0 [hbm:s6], $0xF7A  }
0x23: {  	s9 =	sor.u32 $0xD0000000, s2;
	s6 =	simm.s32 $0x108;
	_ =	swait.ge @!p0 [sflag:s8], $0x0  }
0x24: {  	s3 =	sadd.s32 $0x88, s3;
	s6 =	simm.s32 @!p1 $0x1082;
	[sflag:s4] =	ssyncset.s32 $0xFFFFF086  }
0x25: {  	[simem:s6], [sflag:s4] =	dma.local [hbm:s3], $0xF7A  }
0x26: {  	[smem:$0x3F96] =	sst s1;
	(tag) =	ssettag s2;
	_ =	strace s9  }
0x27: {  	s1 =	sld [smem:$0x3FA6]  }
0x28: {  	s2 =	sld [smem:$0x3FA7]  }
0x29: {  	s4 =	sld [smem:$0x3FA9]  }
0x2a: {  	p0 =	seq.s32 s5, $0x0;
	s5 =	sld [smem:$0x3FAA]  }
0x2b: {  	s6 =	sld [smem:$0x3FAB]  }
0x2c: {  	s7 =	sld [smem:$0x3FAC]  }
0x2d: {  	s3 =	simm.s32 $0x108;
	s8 =	sld [smem:$0x3FAD]  }
0x2e: {  	s3 =	simm.s32 @!p0 $0x1082;
	s9 =	sld [smem:$0x3FAE]  }
0x2f: {  	lr =	sadd.s32 s0, s3;
	s0 =	sld [smem:$0x3FA5]  }
0x30: {  	s3 =	sld [smem:$0x3FA8]  }
0x31: {  	[smem:$0x3FB1] =	sst s10  }
0x32: {  	s10 =	sld [smem:$0x3FAF];
	_ =	sdelay $0x3  }
0x33: {  	p0 =	seq.s32 s10, $0x1;
	s10 =	sld [smem:$0x3FB1];
	_ =	sdelay $0x3  }
0x34: {  	[smem:$0x3FB1] =	sst s10  }
0x35: {  	s10 =	sld [smem:$0x3FB0];
	_ =	sdelay $0x3  }
0x36: {  	p1 =	seq.s32 s10, $0x1;
	s10 =	sld [smem:$0x3FB1];
	_ =	sdelay $0x3  }
0x37: {  	[smem:$0x3FB1] =	sst s10  }
0x38: {  	s10 =	sld [smem:$0x3FB2]  }
0x39: {  	_ = 	snop;
	(pc) =	sbr.ind lr, $3  }
0x3a: {  	_ = 	snop  }
0x3b: {  	_ = 	snop  }
0x3c: {  	p2 =	seq.s32 s10, $0x1;
	s10 =	sld [smem:$0x3FB1]  }
0x3d: {  	_ =	shalt  }
0x3e: {  	_ =	shalt  }
0x3f: {  	_ =	shalt  }
0x40: {  	_ =	shalt  }
0x41: {  	_ =	shalt  }
0x42: {  	_ =	shalt  }
0x43: {  	_ =	shalt  }
0x44: {  	_ =	shalt  }
0x45: {  	_ =	shalt  }
0x46: {  	_ =	shalt  }
0x47: {  	_ =	shalt  }
0x48: {  	_ =	shalt  }
0x49: {  	_ =	shalt  }
0x4a: {  	_ =	shalt  }
0x4b: {  	_ =	shalt  }
0x4c: {  	_ =	shalt  }
0x4d: {  	_ =	shalt  }
0x4e: {  	_ =	shalt  }
0x4f: {  	_ =	shalt  }
0x50: {  	_ =	shalt  }
0x51: {  	_ =	shalt  }
0x52: {  	_ =	shalt  }
0x53: {  	_ =	shalt  }
0x54: {  	_ =	shalt  }
0x55: {  	_ =	shalt  }
0x56: {  	_ =	shalt  }
0x57: {  	_ =	shalt  }
0x58: {  	_ =	shalt  }
0x59: {  	_ =	shalt  }
0x5a: {  	_ =	shalt  }
0x5b: {  	_ =	shalt  }
0x5c: {  	_ =	shalt  }
0x5d: {  	_ =	shalt  }
0x5e: {  	_ =	shalt  }
0x5f: {  	_ =	shalt  }
0x60: {  	_ =	shalt  }
0x61: {  	_ =	shalt  }
0x62: {  	_ =	shalt  }
0x63: {  	_ =	shalt  }
0x64: {  	_ =	shalt  }
0x65: {  	_ =	shalt  }
0x66: {  	_ =	shalt  }
0x67: {  	_ =	shalt  }
0x68: {  	_ =	shalt  }
0x69: {  	_ =	shalt  }
0x6a: {  	_ =	shalt  }
0x6b: {  	_ =	shalt  }
0x6c: {  	_ =	shalt  }
0x6d: {  	_ =	shalt  }
0x6e: {  	_ =	shalt  }
0x6f: {  	_ =	shalt  }
0x70: {  	_ =	shalt  }
0x71: {  	_ =	shalt  }
0x72: {  	_ =	shalt  }
0x73: {  	_ =	shalt  }
0x74: {  	_ =	shalt  }
0x75: {  	_ =	shalt  }
0x76: {  	_ =	shalt  }
0x77: {  	_ =	shalt  }
0x78: {  	_ =	shalt  }
0x79: {  	_ =	shalt  }
0x7a: {  	_ =	shalt  }
0x7b: {  	_ =	shalt  }
0x7c: {  	_ =	shalt  }
0x7d: {  	_ =	shalt  }
0x7e: {  	_ =	shalt  }
0x7f: {  	_ =	shalt  }
0x80: {  	_ =	shalt  }
0x81: {  	_ =	shalt  }
0x82: {  	_ =	shalt  }
0x83: {  	_ =	shalt  }
0x84: {  	_ =	shalt  }
0x85: {  	_ =	shalt  }
0x86: {  	_ =	shalt  }
0x87: {  	_ =	shalt  }
.Lfunc_end0:
.L_simem_size_0:
called_computation_lowered:
.L_overlay_start_0:
0x88: {  	s2 =	sld [smem:$0x3FD9]  }
0x89: {  	s3 =	sld [smem:$0x3FFE];
	_ =	sdelay $0x1  }
0x8a: {  	s1 =	srdreg.scid  }
0x8b: {  	s0 =	sand.u32 $0x1, s1  }
0x8c: {  	s14 =	sshll.u32 s0, $0xA;
	s2 =	sadd.s32 s3, s2  }
0x8d: {  	s2 =	sadd.s32 s2, s14  }
0x8e: {  	[smem:$0x3FBD] =	sst s2  }
0x8f: {  	_ = 	snop  }
0x90: {  	s2 =	sld [smem:$0x3FD0];
	_ =	sdelay $0x2  }
0x91: {  	s15 =	simm.s32 $0xA;
	s4 =	simm.s32 $0x10  }
0x92: {  	[smem:s4], [sflag:s15] =	dma.local [hbm:s2], $0x1  }
0x93: {  	_ =	swait.eq [sflag:s15], $0x1  }
0x94: {  	[sflag:s15] =	ssyncset.done $0x0  }
0x95: {  	s16 =	sld [smem:$0x10];
	[sflag:s15] =	ssyncadd.s32 $0xFFFFFFFF  }
0x96: {  	s17 =	sld [smem:$0x11];
	(tm) =	ssettm $0x1  }
0x97: {  	s18 =	sld [smem:$0x3FFB];
	_ =	sdelay $0x3  }
0x98: {  	_ =	strace s18  }
0x99: {  	s4 =	sld [smem:$0x3FFC];
	_ =	sdelay $0x3  }
0x9a: {  	_ =	strace s4  }
0x9b: {  	s4 =	sld [smem:$0x3FFD];
	_ =	sdelay $0x3  }
0x9c: {  	_ =	strace s4  }
0x9d: {  	_ =	strace $0x8FFFFFFF  }
0x9e: {  	s19 =	sld [smem:$0x3FDB];
	_ =	sdelay $0x1  }
0x9f: {  	s5 =	simm.s32 $_scs_section_size  }
0xa0: {  	s6 =	simm.s32 $_size__tile_overlayer_lowered;
	s7 =	simm.s32 $_tile_overlayer_lowered  }
0xa1: {  	s22 =	simm.s32 $0x1BFF;
	s21 =	sshll.u32 s7, $0x1;
	s4 =	sadd.s32 s5, s19  }
0xa2: {  	s8 =	simm.s32 $0x0;
	s20 =	sshll.u32 s6, $0x1;
	s6 =	sadd.s32 s21, s4  }
0xa3: {  	[timem:s8], [sflag:s22] =	dma.local [hbm:s6], s20  }
0xa4: {  	_ =	swait.ge [sflag:s22], s20  }
0xa5: {  	s5 =	ssub.s32 $0x0, s20;
	[sflag:s22] =	ssyncset.done $0x0  }
0xa6: {  	[sflag:s22] =	ssyncadd.s32 s5;
	_ =	sdelay $0x1  }
0xa7: {  	s23 =	simm.s32 $0x1B8B  }
0xa8: {  	_ =	swait.ge [sflag:s23], $0x1  }
0xa9: {  	[sflag:s23] =	ssyncset.done $0x0  }
0xaa: {  	s25 =	simm.s32 $0x1B8E;
	s24 =	sld [smem:$0x3FFE];
	[sflag:s23] =	ssyncadd.s32 $0xFFFFFFFF  }
0xab: {  	s26 =	simm.s32 $execute0_lowered;
	[smem:$0x3FD2] =	sst s25  }
0xac: {  	s6 =	sshll.u32 s26, $0x1;
	_ =	strace $0x80000046;
	[dreg:$0x1] =	wrdreg $0xFFFFFFFF  }
0xad: {  	s28 =	simm.s32 $_size_execute0_lowered;
	s4 =	sadd.s32 s4, s6;
	[dreg:$0x0] =	wrdreg $0x0  }
0xae: {  	s6 =	sshll.u32 s28, $0x1;
	[dreg:$0x2] =	wrdreg s4  }
0xaf: {  	[dreg:$0x3] =	wrdreg s6  }
0xb0: {  	[dreg:$0x4] =	wrdreg $0xC0  }
0xb1: {  	_ =	task [dreg:s8], $0x5FFFF  }
0xb2: {  	[dreg:$0x1] =	wrdreg $0xFFFFFFFF  }
0xb3: {  	[dreg:$0x0] =	wrdreg $0x60  }
0xb4: {  	[dreg:$0x2] =	wrdreg s17  }
0xb5: {  	[dreg:$0x3] =	wrdreg s16  }
0xb6: {  	[dreg:$0x4] =	wrdreg s24  }
0xb7: {  	[dreg:$0x5] =	wrdreg $0x0  }
0xb8: {  	[dreg:$0x6] =	wrdreg $0x9  }
0xb9: {  	_ =	task.clear_ibuf [dreg:s8], $0x7FFFF;
	_ =	strace $0x90000046  }
0xba: {  	s29 =	simm.s32 $0x9;
	_ =	strace $0x80000048  }
0xbb: {  	_ =	swait.ge [sflag:s29], $0x1  }
0xbc: {  	[sflag:s29] =	ssyncadd.s32 $0xFFFFFFFF  }
0xbd: {  	_ =	strace $0x90000048  }
0xbe: {  	_ =	sfence  }
0xbf: {  	s30 =	sld [smem:$0x0];
	_ =	sdelay $0x2  }
0xc0: {  	s31 =	sshll.u32 s1, $0xD;
	s1 =	sshrl.u32 s1, $0x2  }
0xc1: {  	s3 =	sand.u32 $0x4000, s31;
	s1 =	sadd.s32 s1, s30  }
0xc2: {  	s0 =	sor.u32 s3, s0;
	s1 =	sshll.u32 s1, $0x11  }
0xc3: {  	s0 =	sor.u32 s1, s0  }
0xc4: {  	s0 =	sadd.s32 $0x8F2B, s0  }
0xc5: {  	[sflag:s0] =	ssyncadd.remote.s32 $0x1  }
0xc6: {  	_ =	sfence.sel $0xFFFF  }
0xc7: {  	[dreg:$0x0] =	wrdreg $0xFFFFFFFF;
	(pc) =	sbr.abs _section_cstart, $3  }
0xc8: {  	[dreg:$0x1] =	wrdreg $0xFFFFFFFF  }
0xc9: {  	_ =	task.clear_ibuf [dreg:s8], $0x2FFFF;
	_ =	strace $0x9FFFFFFF  }
0xca: {  	(tm) =	ssettm $0x7FFFFFFF  }
0xcb: {  	_ =	shalt  }
tec
execute0_lowered:
.L_overlay_start_1:
0x0: {  	(tag) =	ssettag $0x1  }
0x1: {  	s14 =	rddreg [dreg:$0x0]  }
0x2: {  	s3 =	rddreg [dreg:$0x1]  }
0x3: {  	s4 =	rddreg [dreg:$0x2];
	s0 =	srdreg.scid  }
0x4: {  	s6 =	stileid.u32;
	s2 =	rddreg [dreg:$0x3]  }
0x5: {  	s1 =	simm.s32 $0x0;
	s19 =	simm.s32 $0x2EE0;
	s12 =	simm.s32 $0xB3B0  }
0x6: {  	s16 =	simm.s32 $0x2;
	s5 =	sand.u32 $0x1, s0;
	s0 =	rddreg [dreg:$0x4]  }
0x7: {  	p1 =	por $0x0, $0x0;
	s7 =	sshll.u32 s6, $0x1;
	[smem:$0x7FF] =	sst s1  }
0x8: {  	s4 =	sadd.s32 $0x29600, s4;
	p0 =	sne.s32 s6, $0x0;
	s7 =	sor.u32 s5, s7  }
0x9: {  	s6 =	simm.s32 $0x36B0;
	s5 =	ssub.s32 $0x2, s5;
	s8 =	smul.u32 $0x2710, s7  }
0xa: {  	_ =	strace $0x80000047;
	s9 =	sshrl.u32 s5, $0x1;
	s7 =	smul.u32 $0x4E20, s7  }
0xb: {  	s9 =	ssub.s32 s5, s9;
	s10 =	sshrl.u32 s8, $0x3;
	s11 =	sadd.s32 $0x7D0, s8  }
0xc: {  	s17 =	sadd.s32 s4, s7;
	s23 =	sadd.s32 $0xFA0, s8;
	s26 =	sadd.s32 $0x1770, s8  }
0xd: {  	s29 =	sadd.s32 $0x1F40, s8;
	s9 =	smax.u32 s9, $0x1;
	s21 =	sadd.s32 s3, s10  }
0xe: {  	s22 =	sshrl.u32 s11, $0x3;
	s24 =	sshrl.u32 s23, $0x3;
	s25 =	sshll.u32 s11, $0x1  }
0xf: {  	s28 =	sshrl.u32 s26, $0x3;
	s15 =	sadd.s32 s4, s25;
	s25 =	sadd.s32 $0xFFFFFFFF, s9  }
0x10: {  	s5 =	sshll.u32 s23, $0x1;
	s30 =	sshrl.u32 s29, $0x3;
	p2 =	sne.s32 s25, $0x0  }
.Ltmp0:
0x11: {  	s11 =	sshll.u32 s26, $0x1;
	s31 =	sshll.u32 s29, $0x1;
	(pc) =	sbr.rel @!p2 .LBB2_3-.Ltmp0, $4  }
0x12: {  	s10 =	simm.s32 $0x2710;
	s20 =	sadd.s32 s3, s22;
	s18 =	sadd.s32 s3, s24  }
0x13: {  	s13 =	sadd.s32 s3, s28;
	s8 =	sadd.s32 s4, s5;
	s7 =	sadd.s32 s3, s30  }
0x14: {  	s5 =	sadd.s32 s4, s11;
	s3 =	sadd.s32 s4, s31;
	s22 =	sshrl.u32 @!p0 s2, $0x3  }
0x15: {  	s4 =	simm.s32 $0x3;
	s11 =	simm.s32 $0x7D0;
	s9 =	simm.s32 $0x1  }
0x16: {  	s23 =	simm.s32 @!p0 $0x1C03;
	s24 =	simm.s32 @!p0 $0x3  }
0x17: {  	[spmem:s22], [sflag:s23] =	dma.local @!p0 [hbm:s14], $0x4E20  }
0x18: {  	_ =	swait.ge @!p0 [sflag:s24], $0x4E20  }
0x19: {  	[sflag:s24] =	ssyncset.done @!p0 $0x0  }
0x1a: {  	[sflag:s24] =	ssyncadd.s32 @!p0 $0xFFFFB1E0  }
0x1b: {  	[bflag:$0x0] =	sbarrier.arrive $0xFFFF  }
0x1c: {  	[tilespmem:s10], [sflag:$0x3] =	stream.linear.gather [hbm4b:s21+s1], $0x7D0, $0x38;
	[tilespmem:$0x130B0] =	vst v63  }
0x1d: {  	_ =	swait.ge [sflag:s4], $0x7D0  }
0x1e: {  	[sflag:s4] =	ssyncset.done $0x0  }
0x1f: {  	[sflag:s4] =	ssyncadd.s32 $0xFFFFF830  }
0x20: {  	[tilespmem:s6], [sflag:$0x1] =	stream.indirect.gather [spmem:s2], $0x10, s10, s11, $0xb8;
	[tilespmem:$0x130B0] =	vst v63  }
0x21: {  	_ = 	snop  }
0x22: {  	[tilespmem:s19], [sflag:$0x3] =	stream.linear.gather [hbm4b:s20+s1], $0x7D0, $0x38;
	[tilespmem:$0x130B0] =	vst v63  }
0x23: {  	_ =	swait.ge [sflag:s4], $0x7D0  }
0x24: {  	[sflag:s4] =	ssyncset.done $0x0  }
0x25: {  	[sflag:s4] =	ssyncadd.s32 $0xFFFFF830  }
0x26: {  	[tilespmem:s12], [sflag:$0x2] =	stream.indirect.gather [spmem:s2], $0x10, s19, s11, $0xb8;
	[tilespmem:$0x130B0] =	vst v63  }
0x27: {  	_ =	swait.ge [sflag:s9], $0x7D00  }
0x28: {  	[sflag:s9] =	ssyncset.done $0x0  }
0x29: {  	[sflag:s9] =	ssyncadd.s32 $0xFFFF8300  }
0x2a: {  	[hbm4b:s17+s1] =	stream.linear.scatter [tilespmem:s6], [sflag:$0x3], $0x7D00, $0x38;
	[tilespmem:$0x130B0] =	vst v63  }
0x2b: {  	_ =	swait.ge [sflag:s4], $0x7D00  }
0x2c: {  	[sflag:s4] =	ssyncset.done $0x0  }
0x2d: {  	[sflag:s4] =	ssyncadd.s32 $0xFFFF8300  }
0x2e: {  	[tilespmem:s10], [sflag:$0x3] =	stream.linear.gather [hbm4b:s18+s1], $0x7D0, $0x38;
	[tilespmem:$0x130B0] =	vst v63  }
0x2f: {  	_ =	swait.ge [sflag:s4], $0x7D0  }
0x30: {  	[sflag:s4] =	ssyncset.done $0x0  }
0x31: {  	[sflag:s4] =	ssyncadd.s32 $0xFFFFF830  }
0x32: {  	[tilespmem:s6], [sflag:$0x1] =	stream.indirect.gather [spmem:s2], $0x10, s10, s11, $0xb8;
	[tilespmem:$0x130B0] =	vst v63  }
0x33: {  	_ =	swait.ge [sflag:s16], $0x7D00  }
0x34: {  	[sflag:s16] =	ssyncset.done $0x0  }
0x35: {  	[sflag:s16] =	ssyncadd.s32 $0xFFFF8300  }
0x36: {  	[hbm4b:s15+s1] =	stream.linear.scatter [tilespmem:s12], [sflag:$0x3], $0x7D00, $0x38;
	[tilespmem:$0x130B0] =	vst v63  }
0x37: {  	_ =	swait.ge [sflag:s4], $0x7D00  }
0x38: {  	[sflag:s4] =	ssyncset.done $0x0  }
0x39: {  	[sflag:s4] =	ssyncadd.s32 $0xFFFF8300  }
0x3a: {  	[tilespmem:s19], [sflag:$0x3] =	stream.linear.gather [hbm4b:s13+s1], $0x7D0, $0x38;
	[tilespmem:$0x130B0] =	vst v63  }
0x3b: {  	_ =	swait.ge [sflag:s4], $0x7D0  }
0x3c: {  	[sflag:s4] =	ssyncset.done $0x0  }
0x3d: {  	[sflag:s4] =	ssyncadd.s32 $0xFFFFF830  }
0x3e: {  	[tilespmem:s12], [sflag:$0x2] =	stream.indirect.gather [spmem:s2], $0x10, s19, s11, $0xb8;
	[tilespmem:$0x130B0] =	vst v63  }
0x3f: {  	_ =	swait.ge [sflag:s9], $0x7D00  }
0x40: {  	[sflag:s9] =	ssyncset.done $0x0  }
0x41: {  	[sflag:s9] =	ssyncadd.s32 $0xFFFF8300  }
0x42: {  	[hbm4b:s8+s1] =	stream.linear.scatter [tilespmem:s6], [sflag:$0x3], $0x7D00, $0x38;
	[tilespmem:$0x130B0] =	vst v63  }
0x43: {  	_ =	swait.ge [sflag:s4], $0x7D00  }
0x44: {  	[sflag:s4] =	ssyncset.done $0x0  }
0x45: {  	[sflag:s4] =	ssyncadd.s32 $0xFFFF8300  }
0x46: {  	[tilespmem:s10], [sflag:$0x3] =	stream.linear.gather [hbm4b:s7+s1], $0x7D0, $0x38;
	[tilespmem:$0x130B0] =	vst v63  }
0x47: {  	_ =	swait.ge [sflag:s4], $0x7D0  }
0x48: {  	[sflag:s4] =	ssyncset.done $0x0  }
0x49: {  	[sflag:s4] =	ssyncadd.s32 $0xFFFFF830  }
0x4a: {  	[tilespmem:s6], [sflag:$0x1] =	stream.indirect.gather [spmem:s2], $0x10, s10, s11, $0xb8;
	[tilespmem:$0x130B0] =	vst v63  }
0x4b: {  	_ =	swait.ge [sflag:s16], $0x7D00  }
0x4c: {  	[sflag:s16] =	ssyncset.done $0x0  }
0x4d: {  	[sflag:s16] =	ssyncadd.s32 $0xFFFF8300  }
0x4e: {  	[hbm4b:s5+s1] =	stream.linear.scatter [tilespmem:s12], [sflag:$0x3], $0x7D00, $0x38;
	[tilespmem:$0x130B0] =	vst v63  }
0x4f: {  	_ =	swait.ge [sflag:s4], $0x7D00  }
0x50: {  	[sflag:s4] =	ssyncset.done $0x0  }
0x51: {  	s25 =	sadd.s32 $0xFFFFFFFF, s25;
	[sflag:s4] =	ssyncadd.s32 $0xFFFF8300  }
0x52: {  	p2 =	sne.s32 s25, $0x0;
	_ =	swait.ge [sflag:s9], $0x7D00  }
.Ltmp1:
0x53: {  	[sflag:s9] =	ssyncset.done $0x0;
	(pc) =	sbr.rel @!p2 .LBB2_3-.Ltmp1, $4  }
0x54: {  	[sflag:s9] =	ssyncadd.s32 $0xFFFF8300  }
0x55: {  	[hbm4b:s3+s1] =	stream.linear.scatter [tilespmem:s6], [sflag:$0x3], $0x7D00, $0x38;
	[tilespmem:$0x130B0] =	vst v63  }
0x56: {  	_ =	swait.ge [sflag:s4], $0x7D00  }
0x57: {  	p1 =	por $0x1, $0x1;
	[sflag:s4] =	ssyncset.done $0x0  }
.LBB2_2:
0x58: {  	[sflag:s4] =	ssyncadd.s32 $0xFFFF8300  }
0x59: {  	[spmem:s22], [sflag:s23] =	dma.local @!p0 [hbm:s14], $0x4E20  }
0x5a: {  	s25 =	sadd.s32 $0xFFFFFFFF, s25;
	_ =	swait.ge @!p0 [sflag:s24], $0x4E20  }
0x5b: {  	p2 =	sne.s32 s25, $0x0;
	[sflag:s24] =	ssyncset.done @!p0 $0x0  }
0x5c: {  	[sflag:s24] =	ssyncadd.s32 @!p0 $0xFFFFB1E0  }
0x5d: {  	[bflag:$0x0] =	sbarrier.arrive $0xFFFF  }
0x5e: {  	[tilespmem:s10], [sflag:$0x3] =	stream.linear.gather [hbm4b:s21+s1], $0x7D0, $0x38;
	[tilespmem:$0x130B0] =	vst v63  }
0x5f: {  	_ =	swait.ge [sflag:s4], $0x7D0  }
0x60: {  	[sflag:s4] =	ssyncset.done $0x0  }
0x61: {  	[sflag:s4] =	ssyncadd.s32 $0xFFFFF830  }
0x62: {  	[tilespmem:s6], [sflag:$0x1] =	stream.indirect.gather [spmem:s2], $0x10, s10, s11, $0xb8;
	[tilespmem:$0x130B0] =	vst v63  }
0x63: {  	_ = 	snop  }
0x64: {  	[tilespmem:s19], [sflag:$0x3] =	stream.linear.gather [hbm4b:s20+s1], $0x7D0, $0x38;
	[tilespmem:$0x130B0] =	vst v63  }
0x65: {  	_ =	swait.ge [sflag:s4], $0x7D0  }
0x66: {  	[sflag:s4] =	ssyncset.done $0x0  }
0x67: {  	[sflag:s4] =	ssyncadd.s32 $0xFFFFF830  }
0x68: {  	[tilespmem:s12], [sflag:$0x2] =	stream.indirect.gather [spmem:s2], $0x10, s19, s11, $0xb8;
	[tilespmem:$0x130B0] =	vst v63  }
0x69: {  	_ =	swait.ge [sflag:s9], $0x7D00  }
0x6a: {  	[sflag:s9] =	ssyncset.done $0x0  }
0x6b: {  	[sflag:s9] =	ssyncadd.s32 $0xFFFF8300  }
0x6c: {  	[hbm4b:s17+s1] =	stream.linear.scatter [tilespmem:s6], [sflag:$0x3], $0x7D00, $0x38;
	[tilespmem:$0x130B0] =	vst v63  }
0x6d: {  	_ =	swait.ge [sflag:s4], $0x7D00  }
0x6e: {  	[sflag:s4] =	ssyncset.done $0x0  }
0x6f: {  	[sflag:s4] =	ssyncadd.s32 $0xFFFF8300  }
0x70: {  	[tilespmem:s10], [sflag:$0x3] =	stream.linear.gather [hbm4b:s18+s1], $0x7D0, $0x38;
	[tilespmem:$0x130B0] =	vst v63  }
0x71: {  	_ =	swait.ge [sflag:s4], $0x7D0  }
0x72: {  	[sflag:s4] =	ssyncset.done $0x0  }
0x73: {  	[sflag:s4] =	ssyncadd.s32 $0xFFFFF830  }
0x74: {  	[tilespmem:s6], [sflag:$0x1] =	stream.indirect.gather [spmem:s2], $0x10, s10, s11, $0xb8;
	[tilespmem:$0x130B0] =	vst v63  }
0x75: {  	_ =	swait.ge [sflag:s16], $0x7D00  }
0x76: {  	[sflag:s16] =	ssyncset.done $0x0  }
0x77: {  	[sflag:s16] =	ssyncadd.s32 $0xFFFF8300  }
0x78: {  	[hbm4b:s15+s1] =	stream.linear.scatter [tilespmem:s12], [sflag:$0x3], $0x7D00, $0x38;
	[tilespmem:$0x130B0] =	vst v63  }
0x79: {  	_ =	swait.ge [sflag:s4], $0x7D00  }
0x7a: {  	[sflag:s4] =	ssyncset.done $0x0  }
0x7b: {  	[sflag:s4] =	ssyncadd.s32 $0xFFFF8300  }
0x7c: {  	[tilespmem:s19], [sflag:$0x3] =	stream.linear.gather [hbm4b:s13+s1], $0x7D0, $0x38;
	[tilespmem:$0x130B0] =	vst v63  }
0x7d: {  	_ =	swait.ge [sflag:s4], $0x7D0  }
0x7e: {  	[sflag:s4] =	ssyncset.done $0x0  }
0x7f: {  	[sflag:s4] =	ssyncadd.s32 $0xFFFFF830  }
0x80: {  	[tilespmem:s12], [sflag:$0x2] =	stream.indirect.gather [spmem:s2], $0x10, s19, s11, $0xb8;
	[tilespmem:$0x130B0] =	vst v63  }
0x81: {  	_ =	swait.ge [sflag:s9], $0x7D00  }
0x82: {  	[sflag:s9] =	ssyncset.done $0x0  }
0x83: {  	[sflag:s9] =	ssyncadd.s32 $0xFFFF8300  }
0x84: {  	[hbm4b:s8+s1] =	stream.linear.scatter [tilespmem:s6], [sflag:$0x3], $0x7D00, $0x38;
	[tilespmem:$0x130B0] =	vst v63  }
0x85: {  	_ =	swait.ge [sflag:s4], $0x7D00  }
0x86: {  	[sflag:s4] =	ssyncset.done $0x0  }
0x87: {  	[sflag:s4] =	ssyncadd.s32 $0xFFFF8300  }
0x88: {  	[tilespmem:s10], [sflag:$0x3] =	stream.linear.gather [hbm4b:s7+s1], $0x7D0, $0x38;
	[tilespmem:$0x130B0] =	vst v63  }
0x89: {  	_ =	swait.ge [sflag:s4], $0x7D0  }
0x8a: {  	[sflag:s4] =	ssyncset.done $0x0  }
0x8b: {  	[sflag:s4] =	ssyncadd.s32 $0xFFFFF830  }
0x8c: {  	[tilespmem:s6], [sflag:$0x1] =	stream.indirect.gather [spmem:s2], $0x10, s10, s11, $0xb8;
	[tilespmem:$0x130B0] =	vst v63  }
0x8d: {  	_ =	swait.ge [sflag:s16], $0x7D00  }
0x8e: {  	[sflag:s16] =	ssyncset.done $0x0  }
0x8f: {  	[sflag:s16] =	ssyncadd.s32 $0xFFFF8300  }
0x90: {  	[hbm4b:s5+s1] =	stream.linear.scatter [tilespmem:s12], [sflag:$0x3], $0x7D00, $0x38;
	[tilespmem:$0x130B0] =	vst v63  }
0x91: {  	_ =	swait.ge [sflag:s4], $0x7D00  }
0x92: {  	[sflag:s4] =	ssyncset.done $0x0  }
0x93: {  	[sflag:s4] =	ssyncadd.s32 $0xFFFF8300  }
0x94: {  	_ =	swait.ge [sflag:s9], $0x7D00  }
.Ltmp2:
0x95: {  	[sflag:s9] =	ssyncset.done $0x0;
	(pc) =	sbr.rel @p2 .LBB2_2-.Ltmp2, $4  }
0x96: {  	[sflag:s9] =	ssyncadd.s32 $0xFFFF8300  }
0x97: {  	[hbm4b:s3+s1] =	stream.linear.scatter [tilespmem:s6], [sflag:$0x3], $0x7D00, $0x38;
	[tilespmem:$0x130B0] =	vst v63  }
0x98: {  	_ =	swait.ge [sflag:s4], $0x7D00  }
0x99: {  	[sflag:s4] =	ssyncset.done $0x0  }
.LBB2_3:
0x9a: {  	s23 =	simm.s32 @!p0 $0x1C03;
	s24 =	simm.s32 @!p0 $0x3;
	[sflag:s4] =	ssyncadd.s32 @p1 $0xFFFF8300  }
0x9b: {  	[spmem:s22], [sflag:s23] =	dma.local @!p0 [hbm:s14], $0x4E20  }
0x9c: {  	_ =	swait.ge @!p0 [sflag:s24], $0x4E20  }
0x9d: {  	[sflag:s24] =	ssyncset.done @!p0 $0x0  }
0x9e: {  	[sflag:s24] =	ssyncadd.s32 @!p0 $0xFFFFB1E0  }
0x9f: {  	[bflag:$0x0] =	sbarrier.arrive $0xFFFF  }
0xa0: {  	[tilespmem:s10], [sflag:$0x3] =	stream.linear.gather [hbm4b:s21+s1], $0x7D0, $0x38;
	[tilespmem:$0x130B0] =	vst v63  }
0xa1: {  	_ =	swait.ge [sflag:s4], $0x7D0  }
0xa2: {  	[sflag:s4] =	ssyncset.done $0x0  }
0xa3: {  	[sflag:s4] =	ssyncadd.s32 $0xFFFFF830  }
0xa4: {  	[tilespmem:s6], [sflag:$0x1] =	stream.indirect.gather [spmem:s2], $0x10, s10, s11, $0xb8;
	[tilespmem:$0x130B0] =	vst v63  }
0xa5: {  	_ = 	snop  }
0xa6: {  	[tilespmem:s19], [sflag:$0x3] =	stream.linear.gather [hbm4b:s20+s1], $0x7D0, $0x38;
	[tilespmem:$0x130B0] =	vst v63  }
0xa7: {  	_ =	swait.ge [sflag:s4], $0x7D0  }
0xa8: {  	[sflag:s4] =	ssyncset.done $0x0  }
0xa9: {  	[sflag:s4] =	ssyncadd.s32 $0xFFFFF830  }
0xaa: {  	[tilespmem:s12], [sflag:$0x2] =	stream.indirect.gather [spmem:s2], $0x10, s19, s11, $0xb8;
	[tilespmem:$0x130B0] =	vst v63  }
0xab: {  	_ =	swait.ge [sflag:s9], $0x7D00  }
0xac: {  	[sflag:s9] =	ssyncset.done $0x0  }
0xad: {  	[sflag:s9] =	ssyncadd.s32 $0xFFFF8300  }
0xae: {  	[hbm4b:s17+s1] =	stream.linear.scatter [tilespmem:s6], [sflag:$0x3], $0x7D00, $0x38;
	[tilespmem:$0x130B0] =	vst v63  }
0xaf: {  	_ =	swait.ge [sflag:s4], $0x7D00  }
0xb0: {  	[sflag:s4] =	ssyncset.done $0x0  }
0xb1: {  	[sflag:s4] =	ssyncadd.s32 $0xFFFF8300  }
0xb2: {  	[tilespmem:s10], [sflag:$0x3] =	stream.linear.gather [hbm4b:s18+s1], $0x7D0, $0x38;
	[tilespmem:$0x130B0] =	vst v63  }
0xb3: {  	_ =	swait.ge [sflag:s4], $0x7D0  }
0xb4: {  	[sflag:s4] =	ssyncset.done $0x0  }
0xb5: {  	[sflag:s4] =	ssyncadd.s32 $0xFFFFF830  }
0xb6: {  	[tilespmem:s6], [sflag:$0x1] =	stream.indirect.gather [spmem:s2], $0x10, s10, s11, $0xb8;
	[tilespmem:$0x130B0] =	vst v63  }
0xb7: {  	_ =	swait.ge [sflag:s16], $0x7D00  }
0xb8: {  	[sflag:s16] =	ssyncset.done $0x0  }
0xb9: {  	[sflag:s16] =	ssyncadd.s32 $0xFFFF8300  }
0xba: {  	[hbm4b:s15+s1] =	stream.linear.scatter [tilespmem:s12], [sflag:$0x3], $0x7D00, $0x38;
	[tilespmem:$0x130B0] =	vst v63  }
0xbb: {  	_ =	swait.ge [sflag:s4], $0x7D00  }
0xbc: {  	[sflag:s4] =	ssyncset.done $0x0  }
0xbd: {  	[sflag:s4] =	ssyncadd.s32 $0xFFFF8300  }
0xbe: {  	[tilespmem:s19], [sflag:$0x3] =	stream.linear.gather [hbm4b:s13+s1], $0x7D0, $0x38;
	[tilespmem:$0x130B0] =	vst v63  }
0xbf: {  	_ =	swait.ge [sflag:s4], $0x7D0  }
0xc0: {  	[sflag:s4] =	ssyncset.done $0x0  }
0xc1: {  	[sflag:s4] =	ssyncadd.s32 $0xFFFFF830  }
0xc2: {  	[tilespmem:s12], [sflag:$0x2] =	stream.indirect.gather [spmem:s2], $0x10, s19, s11, $0xb8;
	[tilespmem:$0x130B0] =	vst v63  }
0xc3: {  	_ =	swait.ge [sflag:s9], $0x7D00  }
0xc4: {  	[sflag:s9] =	ssyncset.done $0x0  }
0xc5: {  	[sflag:s9] =	ssyncadd.s32 $0xFFFF8300  }
0xc6: {  	[hbm4b:s8+s1] =	stream.linear.scatter [tilespmem:s6], [sflag:$0x3], $0x7D00, $0x38;
	[tilespmem:$0x130B0] =	vst v63  }
0xc7: {  	_ =	swait.ge [sflag:s4], $0x7D00  }
0xc8: {  	[sflag:s4] =	ssyncset.done $0x0  }
0xc9: {  	[sflag:s4] =	ssyncadd.s32 $0xFFFF8300  }
0xca: {  	[tilespmem:s10], [sflag:$0x3] =	stream.linear.gather [hbm4b:s7+s1], $0x7D0, $0x38;
	[tilespmem:$0x130B0] =	vst v63  }
0xcb: {  	_ =	swait.ge [sflag:s4], $0x7D0  }
0xcc: {  	[sflag:s4] =	ssyncset.done $0x0  }
0xcd: {  	[sflag:s4] =	ssyncadd.s32 $0xFFFFF830  }
0xce: {  	[tilespmem:s6], [sflag:$0x1] =	stream.indirect.gather [spmem:s2], $0x10, s10, s11, $0xb8;
	[tilespmem:$0x130B0] =	vst v63  }
0xcf: {  	_ =	swait.ge [sflag:s16], $0x7D00  }
0xd0: {  	[sflag:s16] =	ssyncset.done $0x0  }
0xd1: {  	[sflag:s16] =	ssyncadd.s32 $0xFFFF8300  }
0xd2: {  	[hbm4b:s5+s1] =	stream.linear.scatter [tilespmem:s12], [sflag:$0x3], $0x7D00, $0x38;
	[tilespmem:$0x130B0] =	vst v63  }
0xd3: {  	_ =	swait.ge [sflag:s4], $0x7D00  }
0xd4: {  	[sflag:s4] =	ssyncset.done $0x0  }
0xd5: {  	[sflag:s4] =	ssyncadd.s32 $0xFFFF8300  }
0xd6: {  	_ =	swait.ge [sflag:s9], $0x7D00  }
0xd7: {  	[sflag:s9] =	ssyncset.done $0x0  }
0xd8: {  	[sflag:s9] =	ssyncadd.s32 $0xFFFF8300  }
0xd9: {  	[hbm4b:s3+s1] =	stream.linear.scatter [tilespmem:s6], [sflag:$0x3], $0x7D00, $0x38;
	[tilespmem:$0x130B0] =	vst v63  }
0xda: {  	_ =	swait.ge [sflag:s4], $0x7D00  }
0xdb: {  	[sflag:s4] =	ssyncset.done $0x0  }
0xdc: {  	[sflag:s4] =	ssyncadd.s32 $0xFFFF8300  }
0xdd: {  	_ =	sfence.sel $0x180000  }
0xde: {  	[bflag:$0x0] =	sbarrier.arrive $0xFFFF  }
0xdf: {  	_ =	strace $0x90000047  }
0xe0: {  	s0 =	sadd.s32 @!p0 $0x100000, s0;
	[bflag:$0x2] =	sbarrier.arrive $0xFFFF  }
0xe1: {  	[sflag:s0] =	ssyncadd.tile.s32 @!p0 $0x1;
	_ =	shalt  }
.Lfunc_end2:
_tile_overlayer_lowered:
.L_overlay_start_2:
0xe2: {  	(tag) =	ssettag $0x2  }
0xe3: {  	s0 =	rddreg [dreg:$0x0];
	s2 =	stileid.u32  }
0xe4: {  	s1 =	rddreg [dreg:$0x1];
	p0 =	sne.s32 s2, $0x0  }
0xe5: {  	s3 =	rddreg [dreg:$0x2];
	[bflag:$0x3] =	sbarrier.arrive $0xFFFF;
	s2 =	simm.s32 @!p0 $0x1C03  }
0xe6: {  	[timem:s3], [sflag:s2] =	dma.local @!p0 [hbm:s0], s1  }
0xe7: {  	s0 =	simm.s32 @!p0 $0x3  }
0xe8: {  	_ =	swait.ge @!p0 [sflag:s0], s1  }
0xe9: {  	s1 =	ssub.s32 @!p0 $0x0, s1;
	[sflag:s0] =	ssyncset.done @!p0 $0x0  }
0xea: {  	[sflag:s0] =	ssyncadd.s32 @!p0 s1  }
0xeb: {  	[bflag:$0x3] =	sbarrier.arrive $0xFFFF  }
0xec: {  	_ =	shalt  }

</sc_bundles>
